<compile_context>
chip_gen: v7x
topology: tpu7x:2x2x1
jax: 0.10.2.dev20260603
libtpu: 0.0.44.dev20260713+nightly
codegen_flags: <defaults>
</compile_context>

<pallas_src>
import functools

import numpy as np
import jax
import jax.numpy as jnp
from jax import lax
from jax.experimental import pallas as pl
from jax.experimental.pallas import tpu as pltpu
from jax.experimental.pallas import tpu_sc as plsc

N_TOTAL = 16777216
NC = 2
NS = 16
NW = NC * NS
M_SC = 5 * 2**20
PER_W = M_SC // NW
CHUNK = 16384
NCHUNK = PER_W // CHUNK
HALF = NCHUNK // 2
LANES = 16
UNROLL = 8

TC_COLS = 128
TC_ROW0 = M_SC // TC_COLS
TC_ROWS = (N_TOTAL - M_SC) // TC_COLS
TC_CHR = 2048
TC_NBUF = 4
TC_NCH = TC_ROWS // TC_CHR
TC_OUTER = TC_NCH // TC_NBUF

_RCP_MAGIC = np.int32(0x7EF311C3)


def _rcp(t):
    ti = lax.bitcast_convert_type(t, jnp.int32)
    r = lax.bitcast_convert_type(_RCP_MAGIC - ti, jnp.float32)
    r = r * (2.0 - t * r)
    return r


def _sc_partials(pred, target):
    mesh = plsc.VectorSubcoreMesh(core_axis_name="c", subcore_axis_name="s")

    @functools.partial(
        pl.kernel,
        mesh=mesh,
        out_type=jax.ShapeDtypeStruct((NW, 48), jnp.float32),
        scratch_types=[
            pltpu.VMEM((CHUNK,), jnp.float32),
            pltpu.VMEM((CHUNK,), jnp.float32),
            pltpu.VMEM((CHUNK,), jnp.float32),
            pltpu.VMEM((CHUNK,), jnp.float32),
            pltpu.VMEM((48,), jnp.float32),
            pltpu.SemaphoreType.DMA,
            pltpu.SemaphoreType.DMA,
            pltpu.SemaphoreType.DMA,
            pltpu.SemaphoreType.DMA,
        ],
    )
    def k(pred_hbm, target_hbm, out_hbm,
          pb0, pb1, tb0, tb1, outv, sp0, sp1, st0, st1):
        wid = lax.axis_index("s") * NC + lax.axis_index("c")
        base = wid * PER_W

        pltpu.async_copy(pred_hbm.at[pl.ds(base, CHUNK)], pb0, sp0)
        pltpu.async_copy(target_hbm.at[pl.ds(base, CHUNK)], tb0, st0)
        pltpu.async_copy(pred_hbm.at[pl.ds(base + CHUNK, CHUNK)], pb1, sp1)
        pltpu.async_copy(target_hbm.at[pl.ds(base + CHUNK, CHUNK)], tb1, st1)

        def compute_chunk(pb, tb, carry):
            def body(kk, c):
                o = kk * (UNROLL * LANES)
                out = []
                for u in range(UNROLL):
                    a, cn, s = c[u]
                    t = tb[pl.ds(o + u * LANES, LANES)]
                    p = pb[pl.ds(o + u * LANES, LANES)]
                    diff = t - p
                    s = s + diff * diff
                    mask = t > 0.2
                    ape = jnp.abs(diff) * _rcp(t)
                    a = a + jnp.where(mask, ape, 0.0)
                    cn = cn + jnp.where(mask, 1.0, 0.0)
                    out.append((a, cn, s))
                return tuple(out)
            return lax.fori_loop(0, CHUNK // (UNROLL * LANES), body, carry)

        def loop_body(i, carry):
            off0 = base + (2 * i) * CHUNK
            pltpu.make_async_copy(
                pred_hbm.at[pl.ds(off0, CHUNK)], pb0, sp0).wait()
            pltpu.make_async_copy(
                target_hbm.at[pl.ds(off0, CHUNK)], tb0, st0).wait()
            carry = compute_chunk(pb0, tb0, carry)

            @pl.when(i < HALF - 1)
            def _():
                pltpu.async_copy(
                    pred_hbm.at[pl.ds(off0 + 2 * CHUNK, CHUNK)], pb0, sp0)
                pltpu.async_copy(
                    target_hbm.at[pl.ds(off0 + 2 * CHUNK, CHUNK)], tb0, st0)

            off1 = off0 + CHUNK
            pltpu.make_async_copy(
                pred_hbm.at[pl.ds(off1, CHUNK)], pb1, sp1).wait()
            pltpu.make_async_copy(
                target_hbm.at[pl.ds(off1, CHUNK)], tb1, st1).wait()
            carry = compute_chunk(pb1, tb1, carry)

            @pl.when(i < HALF - 1)
            def _():
                pltpu.async_copy(
                    pred_hbm.at[pl.ds(off1 + 2 * CHUNK, CHUNK)], pb1, sp1)
                pltpu.async_copy(
                    target_hbm.at[pl.ds(off1 + 2 * CHUNK, CHUNK)], tb1, st1)

            return carry

        zero = jnp.zeros((LANES,), jnp.float32)
        init = tuple((zero, zero, zero) for _ in range(UNROLL))
        final = lax.fori_loop(0, HALF, loop_body, init)

        ape_acc = final[0][0]
        cnt_acc = final[0][1]
        sq_acc = final[0][2]
        for u in range(1, UNROLL):
            ape_acc = ape_acc + final[u][0]
            cnt_acc = cnt_acc + final[u][1]
            sq_acc = sq_acc + final[u][2]
        outv[pl.ds(0, LANES)] = ape_acc
        outv[pl.ds(16, LANES)] = cnt_acc
        outv[pl.ds(32, LANES)] = sq_acc
        pltpu.sync_copy(outv, out_hbm.at[wid])

    return k(pred, target)


def _tc_body(p_hbm, t_hbm, out_ref, *scratch):
    pbufs = scratch[0:TC_NBUF]
    tbufs = scratch[TC_NBUF:2 * TC_NBUF]
    psems = scratch[2 * TC_NBUF:3 * TC_NBUF]
    tsems = scratch[3 * TC_NBUF:4 * TC_NBUF]

    for b in range(TC_NBUF):
        start = TC_ROW0 + b * TC_CHR
        pltpu.async_copy(p_hbm.at[pl.ds(start, TC_CHR)], pbufs[b], psems[b])
        pltpu.async_copy(t_hbm.at[pl.ds(start, TC_CHR)], tbufs[b], tsems[b])

    def outer(i, carry):
        a_acc, c_acc, s_acc = carry
        for b in range(TC_NBUF):
            start = TC_ROW0 + (i * TC_NBUF + b) * TC_CHR
            pltpu.make_async_copy(
                p_hbm.at[pl.ds(start, TC_CHR)], pbufs[b], psems[b]).wait()
            pltpu.make_async_copy(
                t_hbm.at[pl.ds(start, TC_CHR)], tbufs[b], tsems[b]).wait()
            t = tbufs[b][...]
            p = pbufs[b][...]
            diff = t - p
            mask = t > 0.2
            ape = jnp.where(mask, jnp.abs(diff) / t, 0.0)
            cnt = jnp.where(mask, 1.0, 0.0)
            sq = diff * diff
            a_acc = a_acc + jnp.sum(ape, axis=0, keepdims=True)
            c_acc = c_acc + jnp.sum(cnt, axis=0, keepdims=True)
            s_acc = s_acc + jnp.sum(sq, axis=0, keepdims=True)

            @pl.when(i < TC_OUTER - 1)
            def _():
                nxt = start + TC_NBUF * TC_CHR
                pltpu.async_copy(
                    p_hbm.at[pl.ds(nxt, TC_CHR)], pbufs[b], psems[b])
                pltpu.async_copy(
                    t_hbm.at[pl.ds(nxt, TC_CHR)], tbufs[b], tsems[b])

        return (a_acc, c_acc, s_acc)

    zero = jnp.zeros((1, TC_COLS), jnp.float32)
    a_acc, c_acc, s_acc = lax.fori_loop(
        0, TC_OUTER, outer, (zero, zero, zero))
    out_ref[0, 0] = jnp.sum(a_acc[0, :])
    out_ref[0, 1] = jnp.sum(c_acc[0, :])
    out_ref[0, 2] = jnp.sum(s_acc[0, :])


def _tc_partials(pred2d, target2d):
    bufs = [pltpu.VMEM((TC_CHR, TC_COLS), jnp.float32)
            for _ in range(2 * TC_NBUF)]
    sems = [pltpu.SemaphoreType.DMA for _ in range(2 * TC_NBUF)]
    return pl.pallas_call(
        _tc_body,
        in_specs=[
            pl.BlockSpec(memory_space=pl.ANY),
            pl.BlockSpec(memory_space=pl.ANY),
        ],
        out_specs=pl.BlockSpec(memory_space=pltpu.SMEM),
        out_shape=jax.ShapeDtypeStruct((1, 3), jnp.float32),
        scratch_shapes=bufs + sems,
    )(pred2d, target2d)


def kernel(pred, target):
    pred2d = pred.reshape(N_TOTAL // TC_COLS, TC_COLS)
    target2d = target.reshape(N_TOTAL // TC_COLS, TC_COLS)
    tc_parts = _tc_partials(pred2d, target2d)
    sc_parts = _sc_partials(pred, target).reshape(NW, 3, LANES)
    ape_sum = jnp.sum(sc_parts[:, 0, :]) + tc_parts[0, 0]
    cnt = jnp.sum(sc_parts[:, 1, :]) + tc_parts[0, 1]
    sq_sum = jnp.sum(sc_parts[:, 2, :]) + tc_parts[0, 2]
    mape = ape_sum / cnt
    rmse = jnp.sqrt(sq_sum / N_TOTAL)
    return (mape, rmse)

# --- scband reference (transcript-rebuilt; emitter-appended) ---
"""Pipeline reference for scband-loss-8108898255370 (READ-ONLY COPY).

The authoritative reference and input builder live on the scoring server;
editing this copy changes nothing except your own understanding.
"""

import jax, jax.numpy as jnp
import numpy as np

N = 16777216

def setup_inputs(seed: int = 0) -> dict:
    key = jax.random.key(seed)
    k1, k2 = jax.random.split(key)
    pred = jax.random.uniform(k1, (N,), dtype=jnp.float32)
    target = jax.random.uniform(k2, (N,), dtype=jnp.float32)
    return {"pred": pred, "target": target}

def reference(pred, target):
    # MAPE: torch code selects idx = (target > 0.2).nonzero() and computes
    # mean(|target[idx] - pred[idx]| / target[idx]). Equivalent masked-mean form
    # (traceable, same math):
    mask = target > 0.2
    cnt = jnp.sum(mask.astype(jnp.float32))
    safe_t = jnp.where(mask, target, 1.0)
    ape = jnp.where(mask, jnp.abs(target - pred) / safe_t, 0.0)
    mape = jnp.sum(ape) / cnt
    # RMSE: mean((target - pred)**2) ** 0.5
    rmse = jnp.mean((target - pred) ** 2) ** 0.5
    return (mape, rmse)

if __name__ == "__main__":
    import jax
    _d = setup_inputs()
    print(jax.jit(kernel)(*tuple(_d.values())))

</pallas_src>

<mosaic_0001>
#map = affine_map<(d0, d1) -> (0)>
#map1 = affine_map<(d0, d1) -> (0, 0)>
module attributes {stable_mosaic.version = 14 : i64} {
  func.func @k(%arg0: i32, %arg1: i32, %arg2: memref<16777216xf32, #tpu.memory_space<hbm>>, %arg3: memref<16777216xf32, #tpu.memory_space<hbm>>, %arg4: memref<32x48xf32, #tpu.memory_space<hbm>>, %arg5: memref<16384xf32, #tpu.memory_space<vmem>>, %arg6: memref<16384xf32, #tpu.memory_space<vmem>>, %arg7: memref<16384xf32, #tpu.memory_space<vmem>>, %arg8: memref<16384xf32, #tpu.memory_space<vmem>>, %arg9: memref<48xf32, #tpu.memory_space<vmem>>, %arg10: memref<!tpu.dma_semaphore, #tpu.memory_space<semaphore_mem>>, %arg11: memref<!tpu.dma_semaphore, #tpu.memory_space<semaphore_mem>>, %arg12: memref<!tpu.dma_semaphore, #tpu.memory_space<semaphore_mem>>, %arg13: memref<!tpu.dma_semaphore, #tpu.memory_space<semaphore_mem>>) attributes {dimension_semantics = [#tpu.dimension_semantics<core_parallel>, #tpu.dimension_semantics<subcore_parallel>], iteration_bounds = array<i64: 2, 16>, scalar_prefetch = 0 : i64, scratch_operands = 9 : i64, tpu.core_type = #tpu.core_type<sc_vector_subcore>, window_params = [{transform_indices = #map}, {transform_indices = #map}, {transform_indices = #map1}]} {
    %mul3A = arith.constant 2 : i32
    %mul3A_0 = arith.muli %arg1, %mul3A : i32
    %add3A = arith.addi %mul3A_0, %arg0 : i32
    %mul3A_1 = arith.constant 163840 : i32
    %mul3A_2 = arith.muli %add3A, %mul3A_1 : i32
    %dma_start3A = tpu.memref_slice %arg2[%mul3A_2] : memref<16777216xf32, #tpu.memory_space<hbm>> -> memref<16384xf32, #tpu.memory_space<hbm>>
    %dma_start3A_3 = tpu.memref_slice %arg2[%mul3A_2] : memref<16777216xf32, #tpu.memory_space<hbm>> -> memref<16384xf32, #tpu.memory_space<hbm>>
    tpu.enqueue_dma source(%dma_start3A_3 : memref<16384xf32, #tpu.memory_space<hbm>>) target(%arg5 : memref<16384xf32, #tpu.memory_space<vmem>>) target_semaphore(%arg10 : memref<!tpu.dma_semaphore, #tpu.memory_space<semaphore_mem>>)
    %dma_start3A_4 = tpu.memref_slice %arg3[%mul3A_2] : memref<16777216xf32, #tpu.memory_space<hbm>> -> memref<16384xf32, #tpu.memory_space<hbm>>
    %dma_start3A_5 = tpu.memref_slice %arg3[%mul3A_2] : memref<16777216xf32, #tpu.memory_space<hbm>> -> memref<16384xf32, #tpu.memory_space<hbm>>
    tpu.enqueue_dma source(%dma_start3A_5 : memref<16384xf32, #tpu.memory_space<hbm>>) target(%arg7 : memref<16384xf32, #tpu.memory_space<vmem>>) target_semaphore(%arg12 : memref<!tpu.dma_semaphore, #tpu.memory_space<semaphore_mem>>)
    %add3A_6 = arith.constant 16384 : i32
    %add3A_7 = arith.addi %mul3A_2, %add3A_6 : i32
    %dma_start3A_8 = tpu.memref_slice %arg2[%add3A_7] : memref<16777216xf32, #tpu.memory_space<hbm>> -> memref<16384xf32, #tpu.memory_space<hbm>>
    %dma_start3A_9 = tpu.memref_slice %arg2[%add3A_7] : memref<16777216xf32, #tpu.memory_space<hbm>> -> memref<16384xf32, #tpu.memory_space<hbm>>
    tpu.enqueue_dma source(%dma_start3A_9 : memref<16384xf32, #tpu.memory_space<hbm>>) target(%arg6 : memref<16384xf32, #tpu.memory_space<vmem>>) target_semaphore(%arg11 : memref<!tpu.dma_semaphore, #tpu.memory_space<semaphore_mem>>)
    %add3A_10 = arith.constant 16384 : i32
    %add3A_11 = arith.addi %mul3A_2, %add3A_10 : i32
    %dma_start3A_12 = tpu.memref_slice %arg3[%add3A_11] : memref<16777216xf32, #tpu.memory_space<hbm>> -> memref<16384xf32, #tpu.memory_space<hbm>>
    %dma_start3A_13 = tpu.memref_slice %arg3[%add3A_11] : memref<16777216xf32, #tpu.memory_space<hbm>> -> memref<16384xf32, #tpu.memory_space<hbm>>
    tpu.enqueue_dma source(%dma_start3A_13 : memref<16384xf32, #tpu.memory_space<hbm>>) target(%arg8 : memref<16384xf32, #tpu.memory_space<vmem>>) target_semaphore(%arg13 : memref<!tpu.dma_semaphore, #tpu.memory_space<semaphore_mem>>)
    %broadcast_in_dim3A = arith.constant 0.000000e+00 : f32
    %broadcast_in_dim3A_14 = vector.broadcast %broadcast_in_dim3A : f32 to vector<16xf32>
    %scan3A = arith.constant 0 : i32
    %scan3A_15 = arith.constant 5 : i32
    %scan3A_16 = arith.addi %scan3A, %scan3A_15 : i32
    %scan3A_17 = arith.constant 1 : i32
    %scan3A_18:24 = scf.for %scan3A_52 = %scan3A to %scan3A_16 step %scan3A_17 iter_args(%scan3A_53 = %broadcast_in_dim3A_14, %scan3A_54 = %broadcast_in_dim3A_14, %scan3A_55 = %broadcast_in_dim3A_14, %scan3A_56 = %broadcast_in_dim3A_14, %scan3A_57 = %broadcast_in_dim3A_14, %scan3A_58 = %broadcast_in_dim3A_14, %scan3A_59 = %broadcast_in_dim3A_14, %scan3A_60 = %broadcast_in_dim3A_14, %scan3A_61 = %broadcast_in_dim3A_14, %scan3A_62 = %broadcast_in_dim3A_14, %scan3A_63 = %broadcast_in_dim3A_14, %scan3A_64 = %broadcast_in_dim3A_14, %scan3A_65 = %broadcast_in_dim3A_14, %scan3A_66 = %broadcast_in_dim3A_14, %scan3A_67 = %broadcast_in_dim3A_14, %scan3A_68 = %broadcast_in_dim3A_14, %scan3A_69 = %broadcast_in_dim3A_14, %scan3A_70 = %broadcast_in_dim3A_14, %scan3A_71 = %broadcast_in_dim3A_14, %scan3A_72 = %broadcast_in_dim3A_14, %scan3A_73 = %broadcast_in_dim3A_14, %scan3A_74 = %broadcast_in_dim3A_14, %scan3A_75 = %broadcast_in_dim3A_14, %scan3A_76 = %broadcast_in_dim3A_14) -> (vector<16xf32>, vector<16xf32>, vector<16xf32>, vector<16xf32>, vector<16xf32>, vector<16xf32>, vector<16xf32>, vector<16xf32>, vector<16xf32>, vector<16xf32>, vector<16xf32>, vector<16xf32>, vector<16xf32>, vector<16xf32>, vector<16xf32>, vector<16xf32>, vector<16xf32>, vector<16xf32>, vector<16xf32>, vector<16xf32>, vector<16xf32>, vector<16xf32>, vector<16xf32>, vector<16xf32>)  : i32 {
      %mul3A_77 = arith.constant 2 : i32
      %mul3A_78 = arith.muli %mul3A_77, %scan3A_52 : i32
      %mul3A_79 = arith.constant 16384 : i32
      %mul3A_80 = arith.muli %mul3A_78, %mul3A_79 : i32
      %add3A_81 = arith.addi %mul3A_2, %mul3A_80 : i32
      %dma_wait3A = tpu.memref_slice %arg2[%add3A_81] : memref<16777216xf32, #tpu.memory_space<hbm>> -> memref<16384xf32, #tpu.memory_space<hbm>>
      %dma_wait3A_82 = tpu.memref_slice %arg2[%add3A_81] : memref<16777216xf32, #tpu.memory_space<hbm>> -> memref<16384xf32, #tpu.memory_space<hbm>>
      tpu.wait_dma2 semaphore(%arg10 : memref<!tpu.dma_semaphore, #tpu.memory_space<semaphore_mem>>) src(%dma_wait3A_82 : memref<16384xf32, #tpu.memory_space<hbm>>) dst(%arg5 : memref<16384xf32, #tpu.memory_space<vmem>>)
      %dma_wait3A_83 = tpu.memref_slice %arg3[%add3A_81] : memref<16777216xf32, #tpu.memory_space<hbm>> -> memref<16384xf32, #tpu.memory_space<hbm>>
      %dma_wait3A_84 = tpu.memref_slice %arg3[%add3A_81] : memref<16777216xf32, #tpu.memory_space<hbm>> -> memref<16384xf32, #tpu.memory_space<hbm>>
      tpu.wait_dma2 semaphore(%arg12 : memref<!tpu.dma_semaphore, #tpu.memory_space<semaphore_mem>>) src(%dma_wait3A_84 : memref<16384xf32, #tpu.memory_space<hbm>>) dst(%arg7 : memref<16384xf32, #tpu.memory_space<vmem>>)
      %scan3A_85 = arith.constant 0 : i32
      %scan3A_86 = arith.constant 128 : i32
      %scan3A_87 = arith.addi %scan3A_85, %scan3A_86 : i32
      %scan3A_88 = arith.constant 1 : i32
      %scan3A_89:24 = scf.for %scan3A_110 = %scan3A_85 to %scan3A_87 step %scan3A_88 iter_args(%scan3A_111 = %scan3A_53, %scan3A_112 = %scan3A_54, %scan3A_113 = %scan3A_55, %scan3A_114 = %scan3A_56, %scan3A_115 = %scan3A_57, %scan3A_116 = %scan3A_58, %scan3A_117 = %scan3A_59, %scan3A_118 = %scan3A_60, %scan3A_119 = %scan3A_61, %scan3A_120 = %scan3A_62, %scan3A_121 = %scan3A_63, %scan3A_122 = %scan3A_64, %scan3A_123 = %scan3A_65, %scan3A_124 = %scan3A_66, %scan3A_125 = %scan3A_67, %scan3A_126 = %scan3A_68, %scan3A_127 = %scan3A_69, %scan3A_128 = %scan3A_70, %scan3A_129 = %scan3A_71, %scan3A_130 = %scan3A_72, %scan3A_131 = %scan3A_73, %scan3A_132 = %scan3A_74, %scan3A_133 = %scan3A_75, %scan3A_134 = %scan3A_76) -> (vector<16xf32>, vector<16xf32>, vector<16xf32>, vector<16xf32>, vector<16xf32>, vector<16xf32>, vector<16xf32>, vector<16xf32>, vector<16xf32>, vector<16xf32>, vector<16xf32>, vector<16xf32>, vector<16xf32>, vector<16xf32>, vector<16xf32>, vector<16xf32>, vector<16xf32>, vector<16xf32>, vector<16xf32>, vector<16xf32>, vector<16xf32>, vector<16xf32>, vector<16xf32>, vector<16xf32>)  : i32 {
        %mul3A_135 = arith.constant 128 : i32
        %mul3A_136 = arith.muli %scan3A_110, %mul3A_135 : i32
        %add3A_137 = arith.constant 0 : i32
        %add3A_138 = arith.addi %mul3A_136, %add3A_137 : i32
        %get3A = arith.index_cast %add3A_138 : i32 to index
        %get3A_139 = tpu.vector_load %arg7[%get3A] {strides = array<i32>} : memref<16384xf32, #tpu.memory_space<vmem>>, vector<16xf32>,
        %get3A_140 = vector.shape_cast %get3A_139 : vector<16xf32> to vector<16xf32>
        %add3A_141 = arith.constant 0 : i32
        %add3A_142 = arith.addi %mul3A_136, %add3A_141 : i32
        %get3A_143 = arith.index_cast %add3A_142 : i32 to index
        %get3A_144 = tpu.vector_load %arg5[%get3A_143] {strides = array<i32>} : memref<16384xf32, #tpu.memory_space<vmem>>, vector<16xf32>,
        %get3A_145 = vector.shape_cast %get3A_144 : vector<16xf32> to vector<16xf32>
        %sub3A = arith.subf %get3A_140, %get3A_145 : vector<16xf32>
        %mul3A_146 = arith.mulf %sub3A, %sub3A : vector<16xf32>
        %add3A_147 = arith.addf %scan3A_113, %mul3A_146 : vector<16xf32>
        %gt3A = arith.constant 2.000000e-01 : f32
        %gt3A_148 = vector.broadcast %gt3A : f32 to vector<16xf32>
        %gt3A_149 = arith.cmpf ogt, %get3A_140, %gt3A_148 : vector<16xf32>
        %abs3A = math.absf %sub3A : vector<16xf32>
        %bitcast_convert_type3A = tpu.bitcast %get3A_140 : vector<16xf32> -> vector<16xi32>
        %sub3A_150 = arith.constant 2129859011 : i32
        %sub3A_151 = vector.broadcast %sub3A_150 : i32 to vector<16xi32>
        %sub3A_152 = arith.subi %sub3A_151, %bitcast_convert_type3A : vector<16xi32>
        %bitcast_convert_type3A_153 = tpu.bitcast %sub3A_152 : vector<16xi32> -> vector<16xf32>
        %mul3A_154 = arith.mulf %get3A_140, %bitcast_convert_type3A_153 : vector<16xf32>
        %sub3A_155 = arith.constant 2.000000e+00 : f32
        %sub3A_156 = vector.broadcast %sub3A_155 : f32 to vector<16xf32>
        %sub3A_157 = arith.subf %sub3A_156, %mul3A_154 : vector<16xf32>
        %mul3A_158 = arith.mulf %bitcast_convert_type3A_153, %sub3A_157 : vector<16xf32>
        %mul3A_159 = arith.mulf %abs3A, %mul3A_158 : vector<16xf32>
        %jit3A = arith.constant 0.000000e+00 : f32
        %broadcast_in_dim3A_160 = vector.broadcast %jit3A : f32 to vector<16xf32>
        %select_n3A = arith.select %gt3A_149, %mul3A_159, %broadcast_in_dim3A_160 : vector<16xi1>, vector<16xf32>
        %add3A_161 = arith.addf %scan3A_111, %select_n3A : vector<16xf32>
        %jit3A_162 = arith.constant 1.000000e+00 : f32
        %jit3A_163 = arith.constant 0.000000e+00 : f32
        %broadcast_in_dim3A_164 = vector.broadcast %jit3A_162 : f32 to vector<16xf32>
        %broadcast_in_dim3A_165 = vector.broadcast %jit3A_163 : f32 to vector<16xf32>
        %select_n3A_166 = arith.select %gt3A_149, %broadcast_in_dim3A_164, %broadcast_in_dim3A_165 : vector<16xi1>, vector<16xf32>
        %add3A_167 = arith.addf %scan3A_112, %select_n3A_166 : vector<16xf32>
        %add3A_168 = arith.constant 16 : i32
        %add3A_169 = arith.addi %mul3A_136, %add3A_168 : i32
        %get3A_170 = arith.index_cast %add3A_169 : i32 to index
        %get3A_171 = tpu.vector_load %arg7[%get3A_170] {strides = array<i32>} : memref<16384xf32, #tpu.memory_space<vmem>>, vector<16xf32>,
        %get3A_172 = vector.shape_cast %get3A_171 : vector<16xf32> to vector<16xf32>
        %add3A_173 = arith.constant 16 : i32
        %add3A_174 = arith.addi %mul3A_136, %add3A_173 : i32
        %get3A_175 = arith.index_cast %add3A_174 : i32 to index
        %get3A_176 = tpu.vector_load %arg5[%get3A_175] {strides = array<i32>} : memref<16384xf32, #tpu.memory_space<vmem>>, vector<16xf32>,
        %get3A_177 = vector.shape_cast %get3A_176 : vector<16xf32> to vector<16xf32>
        %sub3A_178 = arith.subf %get3A_172, %get3A_177 : vector<16xf32>
        %mul3A_179 = arith.mulf %sub3A_178, %sub3A_178 : vector<16xf32>
        %add3A_180 = arith.addf %scan3A_116, %mul3A_179 : vector<16xf32>
        %gt3A_181 = arith.constant 2.000000e-01 : f32
        %gt3A_182 = vector.broadcast %gt3A_181 : f32 to vector<16xf32>
        %gt3A_183 = arith.cmpf ogt, %get3A_172, %gt3A_182 : vector<16xf32>
        %abs3A_184 = math.absf %sub3A_178 : vector<16xf32>
        %bitcast_convert_type3A_185 = tpu.bitcast %get3A_172 : vector<16xf32> -> vector<16xi32>
        %sub3A_186 = arith.constant 2129859011 : i32
        %sub3A_187 = vector.broadcast %sub3A_186 : i32 to vector<16xi32>
        %sub3A_188 = arith.subi %sub3A_187, %bitcast_convert_type3A_185 : vector<16xi32>
        %bitcast_convert_type3A_189 = tpu.bitcast %sub3A_188 : vector<16xi32> -> vector<16xf32>
        %mul3A_190 = arith.mulf %get3A_172, %bitcast_convert_type3A_189 : vector<16xf32>
        %sub3A_191 = arith.constant 2.000000e+00 : f32
        %sub3A_192 = vector.broadcast %sub3A_191 : f32 to vector<16xf32>
        %sub3A_193 = arith.subf %sub3A_192, %mul3A_190 : vector<16xf32>
        %mul3A_194 = arith.mulf %bitcast_convert_type3A_189, %sub3A_193 : vector<16xf32>
        %mul3A_195 = arith.mulf %abs3A_184, %mul3A_194 : vector<16xf32>
        %jit3A_196 = arith.constant 0.000000e+00 : f32
        %broadcast_in_dim3A_197 = vector.broadcast %jit3A_196 : f32 to vector<16xf32>
        %select_n3A_198 = arith.select %gt3A_183, %mul3A_195, %broadcast_in_dim3A_197 : vector<16xi1>, vector<16xf32>
        %add3A_199 = arith.addf %scan3A_114, %select_n3A_198 : vector<16xf32>
        %jit3A_200 = arith.constant 1.000000e+00 : f32
        %jit3A_201 = arith.constant 0.000000e+00 : f32
        %broadcast_in_dim3A_202 = vector.broadcast %jit3A_200 : f32 to vector<16xf32>
        %broadcast_in_dim3A_203 = vector.broadcast %jit3A_201 : f32 to vector<16xf32>
        %select_n3A_204 = arith.select %gt3A_183, %broadcast_in_dim3A_202, %broadcast_in_dim3A_203 : vector<16xi1>, vector<16xf32>
        %add3A_205 = arith.addf %scan3A_115, %select_n3A_204 : vector<16xf32>
        %add3A_206 = arith.constant 32 : i32
        %add3A_207 = arith.addi %mul3A_136, %add3A_206 : i32
        %get3A_208 = arith.index_cast %add3A_207 : i32 to index
        %get3A_209 = tpu.vector_load %arg7[%get3A_208] {strides = array<i32>} : memref<16384xf32, #tpu.memory_space<vmem>>, vector<16xf32>,
        %get3A_210 = vector.shape_cast %get3A_209 : vector<16xf32> to vector<16xf32>
        %add3A_211 = arith.constant 32 : i32
        %add3A_212 = arith.addi %mul3A_136, %add3A_211 : i32
        %get3A_213 = arith.index_cast %add3A_212 : i32 to index
        %get3A_214 = tpu.vector_load %arg5[%get3A_213] {strides = array<i32>} : memref<16384xf32, #tpu.memory_space<vmem>>, vector<16xf32>,
        %get3A_215 = vector.shape_cast %get3A_214 : vector<16xf32> to vector<16xf32>
        %sub3A_216 = arith.subf %get3A_210, %get3A_215 : vector<16xf32>
        %mul3A_217 = arith.mulf %sub3A_216, %sub3A_216 : vector<16xf32>
        %add3A_218 = arith.addf %scan3A_119, %mul3A_217 : vector<16xf32>
        %gt3A_219 = arith.constant 2.000000e-01 : f32
        %gt3A_220 = vector.broadcast %gt3A_219 : f32 to vector<16xf32>
        %gt3A_221 = arith.cmpf ogt, %get3A_210, %gt3A_220 : vector<16xf32>
        %abs3A_222 = math.absf %sub3A_216 : vector<16xf32>
        %bitcast_convert_type3A_223 = tpu.bitcast %get3A_210 : vector<16xf32> -> vector<16xi32>
        %sub3A_224 = arith.constant 2129859011 : i32
        %sub3A_225 = vector.broadcast %sub3A_224 : i32 to vector<16xi32>
        %sub3A_226 = arith.subi %sub3A_225, %bitcast_convert_type3A_223 : vector<16xi32>
        %bitcast_convert_type3A_227 = tpu.bitcast %sub3A_226 : vector<16xi32> -> vector<16xf32>
        %mul3A_228 = arith.mulf %get3A_210, %bitcast_convert_type3A_227 : vector<16xf32>
        %sub3A_229 = arith.constant 2.000000e+00 : f32
        %sub3A_230 = vector.broadcast %sub3A_229 : f32 to vector<16xf32>
        %sub3A_231 = arith.subf %sub3A_230, %mul3A_228 : vector<16xf32>
        %mul3A_232 = arith.mulf %bitcast_convert_type3A_227, %sub3A_231 : vector<16xf32>
        %mul3A_233 = arith.mulf %abs3A_222, %mul3A_232 : vector<16xf32>
        %jit3A_234 = arith.constant 0.000000e+00 : f32
        %broadcast_in_dim3A_235 = vector.broadcast %jit3A_234 : f32 to vector<16xf32>
        %select_n3A_236 = arith.select %gt3A_221, %mul3A_233, %broadcast_in_dim3A_235 : vector<16xi1>, vector<16xf32>
        %add3A_237 = arith.addf %scan3A_117, %select_n3A_236 : vector<16xf32>
        %jit3A_238 = arith.constant 1.000000e+00 : f32
        %jit3A_239 = arith.constant 0.000000e+00 : f32
        %broadcast_in_dim3A_240 = vector.broadcast %jit3A_238 : f32 to vector<16xf32>
        %broadcast_in_dim3A_241 = vector.broadcast %jit3A_239 : f32 to vector<16xf32>
        %select_n3A_242 = arith.select %gt3A_221, %broadcast_in_dim3A_240, %broadcast_in_dim3A_241 : vector<16xi1>, vector<16xf32>
        %add3A_243 = arith.addf %scan3A_118, %select_n3A_242 : vector<16xf32>
        %add3A_244 = arith.constant 48 : i32
        %add3A_245 = arith.addi %mul3A_136, %add3A_244 : i32
        %get3A_246 = arith.index_cast %add3A_245 : i32 to index
        %get3A_247 = tpu.vector_load %arg7[%get3A_246] {strides = array<i32>} : memref<16384xf32, #tpu.memory_space<vmem>>, vector<16xf32>,
        %get3A_248 = vector.shape_cast %get3A_247 : vector<16xf32> to vector<16xf32>
        %add3A_249 = arith.constant 48 : i32
        %add3A_250 = arith.addi %mul3A_136, %add3A_249 : i32
        %get3A_251 = arith.index_cast %add3A_250 : i32 to index
        %get3A_252 = tpu.vector_load %arg5[%get3A_251] {strides = array<i32>} : memref<16384xf32, #tpu.memory_space<vmem>>, vector<16xf32>,
        %get3A_253 = vector.shape_cast %get3A_252 : vector<16xf32> to vector<16xf32>
        %sub3A_254 = arith.subf %get3A_248, %get3A_253 : vector<16xf32>
        %mul3A_255 = arith.mulf %sub3A_254, %sub3A_254 : vector<16xf32>
        %add3A_256 = arith.addf %scan3A_122, %mul3A_255 : vector<16xf32>
        %gt3A_257 = arith.constant 2.000000e-01 : f32
        %gt3A_258 = vector.broadcast %gt3A_257 : f32 to vector<16xf32>
        %gt3A_259 = arith.cmpf ogt, %get3A_248, %gt3A_258 : vector<16xf32>
        %abs3A_260 = math.absf %sub3A_254 : vector<16xf32>
        %bitcast_convert_type3A_261 = tpu.bitcast %get3A_248 : vector<16xf32> -> vector<16xi32>
        %sub3A_262 = arith.constant 2129859011 : i32
        %sub3A_263 = vector.broadcast %sub3A_262 : i32 to vector<16xi32>
        %sub3A_264 = arith.subi %sub3A_263, %bitcast_convert_type3A_261 : vector<16xi32>
        %bitcast_convert_type3A_265 = tpu.bitcast %sub3A_264 : vector<16xi32> -> vector<16xf32>
        %mul3A_266 = arith.mulf %get3A_248, %bitcast_convert_type3A_265 : vector<16xf32>
        %sub3A_267 = arith.constant 2.000000e+00 : f32
        %sub3A_268 = vector.broadcast %sub3A_267 : f32 to vector<16xf32>
        %sub3A_269 = arith.subf %sub3A_268, %mul3A_266 : vector<16xf32>
        %mul3A_270 = arith.mulf %bitcast_convert_type3A_265, %sub3A_269 : vector<16xf32>
        %mul3A_271 = arith.mulf %abs3A_260, %mul3A_270 : vector<16xf32>
        %jit3A_272 = arith.constant 0.000000e+00 : f32
        %broadcast_in_dim3A_273 = vector.broadcast %jit3A_272 : f32 to vector<16xf32>
        %select_n3A_274 = arith.select %gt3A_259, %mul3A_271, %broadcast_in_dim3A_273 : vector<16xi1>, vector<16xf32>
        %add3A_275 = arith.addf %scan3A_120, %select_n3A_274 : vector<16xf32>
        %jit3A_276 = arith.constant 1.000000e+00 : f32
        %jit3A_277 = arith.constant 0.000000e+00 : f32
        %broadcast_in_dim3A_278 = vector.broadcast %jit3A_276 : f32 to vector<16xf32>
        %broadcast_in_dim3A_279 = vector.broadcast %jit3A_277 : f32 to vector<16xf32>
        %select_n3A_280 = arith.select %gt3A_259, %broadcast_in_dim3A_278, %broadcast_in_dim3A_279 : vector<16xi1>, vector<16xf32>
        %add3A_281 = arith.addf %scan3A_121, %select_n3A_280 : vector<16xf32>
        %add3A_282 = arith.constant 64 : i32
        %add3A_283 = arith.addi %mul3A_136, %add3A_282 : i32
        %get3A_284 = arith.index_cast %add3A_283 : i32 to index
        %get3A_285 = tpu.vector_load %arg7[%get3A_284] {strides = array<i32>} : memref<16384xf32, #tpu.memory_space<vmem>>, vector<16xf32>,
        %get3A_286 = vector.shape_cast %get3A_285 : vector<16xf32> to vector<16xf32>
        %add3A_287 = arith.constant 64 : i32
        %add3A_288 = arith.addi %mul3A_136, %add3A_287 : i32
        %get3A_289 = arith.index_cast %add3A_288 : i32 to index
        %get3A_290 = tpu.vector_load %arg5[%get3A_289] {strides = array<i32>} : memref<16384xf32, #tpu.memory_space<vmem>>, vector<16xf32>,
        %get3A_291 = vector.shape_cast %get3A_290 : vector<16xf32> to vector<16xf32>
        %sub3A_292 = arith.subf %get3A_286, %get3A_291 : vector<16xf32>
        %mul3A_293 = arith.mulf %sub3A_292, %sub3A_292 : vector<16xf32>
        %add3A_294 = arith.addf %scan3A_125, %mul3A_293 : vector<16xf32>
        %gt3A_295 = arith.constant 2.000000e-01 : f32
        %gt3A_296 = vector.broadcast %gt3A_295 : f32 to vector<16xf32>
        %gt3A_297 = arith.cmpf ogt, %get3A_286, %gt3A_296 : vector<16xf32>
        %abs3A_298 = math.absf %sub3A_292 : vector<16xf32>
        %bitcast_convert_type3A_299 = tpu.bitcast %get3A_286 : vector<16xf32> -> vector<16xi32>
        %sub3A_300 = arith.constant 2129859011 : i32
        %sub3A_301 = vector.broadcast %sub3A_300 : i32 to vector<16xi32>
        %sub3A_302 = arith.subi %sub3A_301, %bitcast_convert_type3A_299 : vector<16xi32>
        %bitcast_convert_type3A_303 = tpu.bitcast %sub3A_302 : vector<16xi32> -> vector<16xf32>
        %mul3A_304 = arith.mulf %get3A_286, %bitcast_convert_type3A_303 : vector<16xf32>
        %sub3A_305 = arith.constant 2.000000e+00 : f32
        %sub3A_306 = vector.broadcast %sub3A_305 : f32 to vector<16xf32>
        %sub3A_307 = arith.subf %sub3A_306, %mul3A_304 : vector<16xf32>
        %mul3A_308 = arith.mulf %bitcast_convert_type3A_303, %sub3A_307 : vector<16xf32>
        %mul3A_309 = arith.mulf %abs3A_298, %mul3A_308 : vector<16xf32>
        %jit3A_310 = arith.constant 0.000000e+00 : f32
        %broadcast_in_dim3A_311 = vector.broadcast %jit3A_310 : f32 to vector<16xf32>
        %select_n3A_312 = arith.select %gt3A_297, %mul3A_309, %broadcast_in_dim3A_311 : vector<16xi1>, vector<16xf32>
        %add3A_313 = arith.addf %scan3A_123, %select_n3A_312 : vector<16xf32>
        %jit3A_314 = arith.constant 1.000000e+00 : f32
        %jit3A_315 = arith.constant 0.000000e+00 : f32
        %broadcast_in_dim3A_316 = vector.broadcast %jit3A_314 : f32 to vector<16xf32>
        %broadcast_in_dim3A_317 = vector.broadcast %jit3A_315 : f32 to vector<16xf32>
        %select_n3A_318 = arith.select %gt3A_297, %broadcast_in_dim3A_316, %broadcast_in_dim3A_317 : vector<16xi1>, vector<16xf32>
        %add3A_319 = arith.addf %scan3A_124, %select_n3A_318 : vector<16xf32>
        %add3A_320 = arith.constant 80 : i32
        %add3A_321 = arith.addi %mul3A_136, %add3A_320 : i32
        %get3A_322 = arith.index_cast %add3A_321 : i32 to index
        %get3A_323 = tpu.vector_load %arg7[%get3A_322] {strides = array<i32>} : memref<16384xf32, #tpu.memory_space<vmem>>, vector<16xf32>,
        %get3A_324 = vector.shape_cast %get3A_323 : vector<16xf32> to vector<16xf32>
        %add3A_325 = arith.constant 80 : i32
        %add3A_326 = arith.addi %mul3A_136, %add3A_325 : i32
        %get3A_327 = arith.index_cast %add3A_326 : i32 to index
        %get3A_328 = tpu.vector_load %arg5[%get3A_327] {strides = array<i32>} : memref<16384xf32, #tpu.memory_space<vmem>>, vector<16xf32>,
        %get3A_329 = vector.shape_cast %get3A_328 : vector<16xf32> to vector<16xf32>
        %sub3A_330 = arith.subf %get3A_324, %get3A_329 : vector<16xf32>
        %mul3A_331 = arith.mulf %sub3A_330, %sub3A_330 : vector<16xf32>
        %add3A_332 = arith.addf %scan3A_128, %mul3A_331 : vector<16xf32>
        %gt3A_333 = arith.constant 2.000000e-01 : f32
        %gt3A_334 = vector.broadcast %gt3A_333 : f32 to vector<16xf32>
        %gt3A_335 = arith.cmpf ogt, %get3A_324, %gt3A_334 : vector<16xf32>
        %abs3A_336 = math.absf %sub3A_330 : vector<16xf32>
        %bitcast_convert_type3A_337 = tpu.bitcast %get3A_324 : vector<16xf32> -> vector<16xi32>
        %sub3A_338 = arith.constant 2129859011 : i32
        %sub3A_339 = vector.broadcast %sub3A_338 : i32 to vector<16xi32>
        %sub3A_340 = arith.subi %sub3A_339, %bitcast_convert_type3A_337 : vector<16xi32>
        %bitcast_convert_type3A_341 = tpu.bitcast %sub3A_340 : vector<16xi32> -> vector<16xf32>
        %mul3A_342 = arith.mulf %get3A_324, %bitcast_convert_type3A_341 : vector<16xf32>
        %sub3A_343 = arith.constant 2.000000e+00 : f32
        %sub3A_344 = vector.broadcast %sub3A_343 : f32 to vector<16xf32>
        %sub3A_345 = arith.subf %sub3A_344, %mul3A_342 : vector<16xf32>
        %mul3A_346 = arith.mulf %bitcast_convert_type3A_341, %sub3A_345 : vector<16xf32>
        %mul3A_347 = arith.mulf %abs3A_336, %mul3A_346 : vector<16xf32>
        %jit3A_348 = arith.constant 0.000000e+00 : f32
        %broadcast_in_dim3A_349 = vector.broadcast %jit3A_348 : f32 to vector<16xf32>
        %select_n3A_350 = arith.select %gt3A_335, %mul3A_347, %broadcast_in_dim3A_349 : vector<16xi1>, vector<16xf32>
        %add3A_351 = arith.addf %scan3A_126, %select_n3A_350 : vector<16xf32>
        %jit3A_352 = arith.constant 1.000000e+00 : f32
        %jit3A_353 = arith.constant 0.000000e+00 : f32
        %broadcast_in_dim3A_354 = vector.broadcast %jit3A_352 : f32 to vector<16xf32>
        %broadcast_in_dim3A_355 = vector.broadcast %jit3A_353 : f32 to vector<16xf32>
        %select_n3A_356 = arith.select %gt3A_335, %broadcast_in_dim3A_354, %broadcast_in_dim3A_355 : vector<16xi1>, vector<16xf32>
        %add3A_357 = arith.addf %scan3A_127, %select_n3A_356 : vector<16xf32>
        %add3A_358 = arith.constant 96 : i32
        %add3A_359 = arith.addi %mul3A_136, %add3A_358 : i32
        %get3A_360 = arith.index_cast %add3A_359 : i32 to index
        %get3A_361 = tpu.vector_load %arg7[%get3A_360] {strides = array<i32>} : memref<16384xf32, #tpu.memory_space<vmem>>, vector<16xf32>,
        %get3A_362 = vector.shape_cast %get3A_361 : vector<16xf32> to vector<16xf32>
        %add3A_363 = arith.constant 96 : i32
        %add3A_364 = arith.addi %mul3A_136, %add3A_363 : i32
        %get3A_365 = arith.index_cast %add3A_364 : i32 to index
        %get3A_366 = tpu.vector_load %arg5[%get3A_365] {strides = array<i32>} : memref<16384xf32, #tpu.memory_space<vmem>>, vector<16xf32>,
        %get3A_367 = vector.shape_cast %get3A_366 : vector<16xf32> to vector<16xf32>
        %sub3A_368 = arith.subf %get3A_362, %get3A_367 : vector<16xf32>
        %mul3A_369 = arith.mulf %sub3A_368, %sub3A_368 : vector<16xf32>
        %add3A_370 = arith.addf %scan3A_131, %mul3A_369 : vector<16xf32>
        %gt3A_371 = arith.constant 2.000000e-01 : f32
        %gt3A_372 = vector.broadcast %gt3A_371 : f32 to vector<16xf32>
        %gt3A_373 = arith.cmpf ogt, %get3A_362, %gt3A_372 : vector<16xf32>
        %abs3A_374 = math.absf %sub3A_368 : vector<16xf32>
        %bitcast_convert_type3A_375 = tpu.bitcast %get3A_362 : vector<16xf32> -> vector<16xi32>
        %sub3A_376 = arith.constant 2129859011 : i32
        %sub3A_377 = vector.broadcast %sub3A_376 : i32 to vector<16xi32>
        %sub3A_378 = arith.subi %sub3A_377, %bitcast_convert_type3A_375 : vector<16xi32>
        %bitcast_convert_type3A_379 = tpu.bitcast %sub3A_378 : vector<16xi32> -> vector<16xf32>
        %mul3A_380 = arith.mulf %get3A_362, %bitcast_convert_type3A_379 : vector<16xf32>
        %sub3A_381 = arith.constant 2.000000e+00 : f32
        %sub3A_382 = vector.broadcast %sub3A_381 : f32 to vector<16xf32>
        %sub3A_383 = arith.subf %sub3A_382, %mul3A_380 : vector<16xf32>
        %mul3A_384 = arith.mulf %bitcast_convert_type3A_379, %sub3A_383 : vector<16xf32>
        %mul3A_385 = arith.mulf %abs3A_374, %mul3A_384 : vector<16xf32>
        %jit3A_386 = arith.constant 0.000000e+00 : f32
        %broadcast_in_dim3A_387 = vector.broadcast %jit3A_386 : f32 to vector<16xf32>
        %select_n3A_388 = arith.select %gt3A_373, %mul3A_385, %broadcast_in_dim3A_387 : vector<16xi1>, vector<16xf32>
        %add3A_389 = arith.addf %scan3A_129, %select_n3A_388 : vector<16xf32>
        %jit3A_390 = arith.constant 1.000000e+00 : f32
        %jit3A_391 = arith.constant 0.000000e+00 : f32
        %broadcast_in_dim3A_392 = vector.broadcast %jit3A_390 : f32 to vector<16xf32>
        %broadcast_in_dim3A_393 = vector.broadcast %jit3A_391 : f32 to vector<16xf32>
        %select_n3A_394 = arith.select %gt3A_373, %broadcast_in_dim3A_392, %broadcast_in_dim3A_393 : vector<16xi1>, vector<16xf32>
        %add3A_395 = arith.addf %scan3A_130, %select_n3A_394 : vector<16xf32>
        %add3A_396 = arith.constant 112 : i32
        %add3A_397 = arith.addi %mul3A_136, %add3A_396 : i32
        %get3A_398 = arith.index_cast %add3A_397 : i32 to index
        %get3A_399 = tpu.vector_load %arg7[%get3A_398] {strides = array<i32>} : memref<16384xf32, #tpu.memory_space<vmem>>, vector<16xf32>,
        %get3A_400 = vector.shape_cast %get3A_399 : vector<16xf32> to vector<16xf32>
        %add3A_401 = arith.constant 112 : i32
        %add3A_402 = arith.addi %mul3A_136, %add3A_401 : i32
        %get3A_403 = arith.index_cast %add3A_402 : i32 to index
        %get3A_404 = tpu.vector_load %arg5[%get3A_403] {strides = array<i32>} : memref<16384xf32, #tpu.memory_space<vmem>>, vector<16xf32>,
        %get3A_405 = vector.shape_cast %get3A_404 : vector<16xf32> to vector<16xf32>
        %sub3A_406 = arith.subf %get3A_400, %get3A_405 : vector<16xf32>
        %mul3A_407 = arith.mulf %sub3A_406, %sub3A_406 : vector<16xf32>
        %add3A_408 = arith.addf %scan3A_134, %mul3A_407 : vector<16xf32>
        %gt3A_409 = arith.constant 2.000000e-01 : f32
        %gt3A_410 = vector.broadcast %gt3A_409 : f32 to vector<16xf32>
        %gt3A_411 = arith.cmpf ogt, %get3A_400, %gt3A_410 : vector<16xf32>
        %abs3A_412 = math.absf %sub3A_406 : vector<16xf32>
        %bitcast_convert_type3A_413 = tpu.bitcast %get3A_400 : vector<16xf32> -> vector<16xi32>
        %sub3A_414 = arith.constant 2129859011 : i32
        %sub3A_415 = vector.broadcast %sub3A_414 : i32 to vector<16xi32>
        %sub3A_416 = arith.subi %sub3A_415, %bitcast_convert_type3A_413 : vector<16xi32>
        %bitcast_convert_type3A_417 = tpu.bitcast %sub3A_416 : vector<16xi32> -> vector<16xf32>
        %mul3A_418 = arith.mulf %get3A_400, %bitcast_convert_type3A_417 : vector<16xf32>
        %sub3A_419 = arith.constant 2.000000e+00 : f32
        %sub3A_420 = vector.broadcast %sub3A_419 : f32 to vector<16xf32>
        %sub3A_421 = arith.subf %sub3A_420, %mul3A_418 : vector<16xf32>
        %mul3A_422 = arith.mulf %bitcast_convert_type3A_417, %sub3A_421 : vector<16xf32>
        %mul3A_423 = arith.mulf %abs3A_412, %mul3A_422 : vector<16xf32>
        %jit3A_424 = arith.constant 0.000000e+00 : f32
        %broadcast_in_dim3A_425 = vector.broadcast %jit3A_424 : f32 to vector<16xf32>
        %select_n3A_426 = arith.select %gt3A_411, %mul3A_423, %broadcast_in_dim3A_425 : vector<16xi1>, vector<16xf32>
        %add3A_427 = arith.addf %scan3A_132, %select_n3A_426 : vector<16xf32>
        %jit3A_428 = arith.constant 1.000000e+00 : f32
        %jit3A_429 = arith.constant 0.000000e+00 : f32
        %broadcast_in_dim3A_430 = vector.broadcast %jit3A_428 : f32 to vector<16xf32>
        %broadcast_in_dim3A_431 = vector.broadcast %jit3A_429 : f32 to vector<16xf32>
        %select_n3A_432 = arith.select %gt3A_411, %broadcast_in_dim3A_430, %broadcast_in_dim3A_431 : vector<16xi1>, vector<16xf32>
        %add3A_433 = arith.addf %scan3A_133, %select_n3A_432 : vector<16xf32>
        scf.yield %add3A_161, %add3A_167, %add3A_147, %add3A_199, %add3A_205, %add3A_180, %add3A_237, %add3A_243, %add3A_218, %add3A_275, %add3A_281, %add3A_256, %add3A_313, %add3A_319, %add3A_294, %add3A_351, %add3A_357, %add3A_332, %add3A_389, %add3A_395, %add3A_370, %add3A_427, %add3A_433, %add3A_408 : vector<16xf32>, vector<16xf32>, vector<16xf32>, vector<16xf32>, vector<16xf32>, vector<16xf32>, vector<16xf32>, vector<16xf32>, vector<16xf32>, vector<16xf32>, vector<16xf32>, vector<16xf32>, vector<16xf32>, vector<16xf32>, vector<16xf32>, vector<16xf32>, vector<16xf32>, vector<16xf32>, vector<16xf32>, vector<16xf32>, vector<16xf32>, vector<16xf32>, vector<16xf32>, vector<16xf32>
      }
      %scan3A_90 = arith.constant 128 : i32
      %lt3A = arith.constant 4 : i32
      %lt3A_91 = arith.cmpi slt, %scan3A_52, %lt3A : i32
      %convert_element_type3A = arith.extui %lt3A_91 : i1 to i32
      %cond3A = arith.constant 0 : i32
      %cond3A_92 = arith.cmpi ne, %convert_element_type3A, %cond3A : i32
      scf.if %cond3A_92 {
        %add3A_110 = arith.constant 32768 : i32
        %add3A_111 = arith.addi %add3A_81, %add3A_110 : i32
        %dma_start3A_112 = tpu.memref_slice %arg2[%add3A_111] : memref<16777216xf32, #tpu.memory_space<hbm>> -> memref<16384xf32, #tpu.memory_space<hbm>>
        %dma_start3A_113 = tpu.memref_slice %arg2[%add3A_111] : memref<16777216xf32, #tpu.memory_space<hbm>> -> memref<16384xf32, #tpu.memory_space<hbm>>
        tpu.enqueue_dma source(%dma_start3A_113 : memref<16384xf32, #tpu.memory_space<hbm>>) target(%arg5 : memref<16384xf32, #tpu.memory_space<vmem>>) target_semaphore(%arg10 : memref<!tpu.dma_semaphore, #tpu.memory_space<semaphore_mem>>)
        %add3A_114 = arith.constant 32768 : i32
        %add3A_115 = arith.addi %add3A_81, %add3A_114 : i32
        %dma_start3A_116 = tpu.memref_slice %arg3[%add3A_115] : memref<16777216xf32, #tpu.memory_space<hbm>> -> memref<16384xf32, #tpu.memory_space<hbm>>
        %dma_start3A_117 = tpu.memref_slice %arg3[%add3A_115] : memref<16777216xf32, #tpu.memory_space<hbm>> -> memref<16384xf32, #tpu.memory_space<hbm>>
        tpu.enqueue_dma source(%dma_start3A_117 : memref<16384xf32, #tpu.memory_space<hbm>>) target(%arg7 : memref<16384xf32, #tpu.memory_space<vmem>>) target_semaphore(%arg12 : memref<!tpu.dma_semaphore, #tpu.memory_space<semaphore_mem>>)
      } else {
      }
      %add3A_93 = arith.constant 16384 : i32
      %add3A_94 = arith.addi %add3A_81, %add3A_93 : i32
      %dma_wait3A_95 = tpu.memref_slice %arg2[%add3A_94] : memref<16777216xf32, #tpu.memory_space<hbm>> -> memref<16384xf32, #tpu.memory_space<hbm>>
      %dma_wait3A_96 = tpu.memref_slice %arg2[%add3A_94] : memref<16777216xf32, #tpu.memory_space<hbm>> -> memref<16384xf32, #tpu.memory_space<hbm>>
      tpu.wait_dma2 semaphore(%arg11 : memref<!tpu.dma_semaphore, #tpu.memory_space<semaphore_mem>>) src(%dma_wait3A_96 : memref<16384xf32, #tpu.memory_space<hbm>>) dst(%arg6 : memref<16384xf32, #tpu.memory_space<vmem>>)
      %dma_wait3A_97 = tpu.memref_slice %arg3[%add3A_94] : memref<16777216xf32, #tpu.memory_space<hbm>> -> memref<16384xf32, #tpu.memory_space<hbm>>
      %dma_wait3A_98 = tpu.memref_slice %arg3[%add3A_94] : memref<16777216xf32, #tpu.memory_space<hbm>> -> memref<16384xf32, #tpu.memory_space<hbm>>
      tpu.wait_dma2 semaphore(%arg13 : memref<!tpu.dma_semaphore, #tpu.memory_space<semaphore_mem>>) src(%dma_wait3A_98 : memref<16384xf32, #tpu.memory_space<hbm>>) dst(%arg8 : memref<16384xf32, #tpu.memory_space<vmem>>)
      %scan3A_99 = arith.constant 0 : i32
      %scan3A_100 = arith.constant 128 : i32
      %scan3A_101 = arith.addi %scan3A_99, %scan3A_100 : i32
      %scan3A_102 = arith.constant 1 : i32
      %scan3A_103:24 = scf.for %scan3A_110 = %scan3A_99 to %scan3A_101 step %scan3A_102 iter_args(%scan3A_111 = %scan3A_89#0, %scan3A_112 = %scan3A_89#1, %scan3A_113 = %scan3A_89#2, %scan3A_114 = %scan3A_89#3, %scan3A_115 = %scan3A_89#4, %scan3A_116 = %scan3A_89#5, %scan3A_117 = %scan3A_89#6, %scan3A_118 = %scan3A_89#7, %scan3A_119 = %scan3A_89#8, %scan3A_120 = %scan3A_89#9, %scan3A_121 = %scan3A_89#10, %scan3A_122 = %scan3A_89#11, %scan3A_123 = %scan3A_89#12, %scan3A_124 = %scan3A_89#13, %scan3A_125 = %scan3A_89#14, %scan3A_126 = %scan3A_89#15, %scan3A_127 = %scan3A_89#16, %scan3A_128 = %scan3A_89#17, %scan3A_129 = %scan3A_89#18, %scan3A_130 = %scan3A_89#19, %scan3A_131 = %scan3A_89#20, %scan3A_132 = %scan3A_89#21, %scan3A_133 = %scan3A_89#22, %scan3A_134 = %scan3A_89#23) -> (vector<16xf32>, vector<16xf32>, vector<16xf32>, vector<16xf32>, vector<16xf32>, vector<16xf32>, vector<16xf32>, vector<16xf32>, vector<16xf32>, vector<16xf32>, vector<16xf32>, vector<16xf32>, vector<16xf32>, vector<16xf32>, vector<16xf32>, vector<16xf32>, vector<16xf32>, vector<16xf32>, vector<16xf32>, vector<16xf32>, vector<16xf32>, vector<16xf32>, vector<16xf32>, vector<16xf32>)  : i32 {
        %mul3A_135 = arith.constant 128 : i32
        %mul3A_136 = arith.muli %scan3A_110, %mul3A_135 : i32
        %add3A_137 = arith.constant 0 : i32
        %add3A_138 = arith.addi %mul3A_136, %add3A_137 : i32
        %get3A = arith.index_cast %add3A_138 : i32 to index
        %get3A_139 = tpu.vector_load %arg8[%get3A] {strides = array<i32>} : memref<16384xf32, #tpu.memory_space<vmem>>, vector<16xf32>,
        %get3A_140 = vector.shape_cast %get3A_139 : vector<16xf32> to vector<16xf32>
        %add3A_141 = arith.constant 0 : i32
        %add3A_142 = arith.addi %mul3A_136, %add3A_141 : i32
        %get3A_143 = arith.index_cast %add3A_142 : i32 to index
        %get3A_144 = tpu.vector_load %arg6[%get3A_143] {strides = array<i32>} : memref<16384xf32, #tpu.memory_space<vmem>>, vector<16xf32>,
        %get3A_145 = vector.shape_cast %get3A_144 : vector<16xf32> to vector<16xf32>
        %sub3A = arith.subf %get3A_140, %get3A_145 : vector<16xf32>
        %mul3A_146 = arith.mulf %sub3A, %sub3A : vector<16xf32>
        %add3A_147 = arith.addf %scan3A_113, %mul3A_146 : vector<16xf32>
        %gt3A = arith.constant 2.000000e-01 : f32
        %gt3A_148 = vector.broadcast %gt3A : f32 to vector<16xf32>
        %gt3A_149 = arith.cmpf ogt, %get3A_140, %gt3A_148 : vector<16xf32>
        %abs3A = math.absf %sub3A : vector<16xf32>
        %bitcast_convert_type3A = tpu.bitcast %get3A_140 : vector<16xf32> -> vector<16xi32>
        %sub3A_150 = arith.constant 2129859011 : i32
        %sub3A_151 = vector.broadcast %sub3A_150 : i32 to vector<16xi32>
        %sub3A_152 = arith.subi %sub3A_151, %bitcast_convert_type3A : vector<16xi32>
        %bitcast_convert_type3A_153 = tpu.bitcast %sub3A_152 : vector<16xi32> -> vector<16xf32>
        %mul3A_154 = arith.mulf %get3A_140, %bitcast_convert_type3A_153 : vector<16xf32>
        %sub3A_155 = arith.constant 2.000000e+00 : f32
        %sub3A_156 = vector.broadcast %sub3A_155 : f32 to vector<16xf32>
        %sub3A_157 = arith.subf %sub3A_156, %mul3A_154 : vector<16xf32>
        %mul3A_158 = arith.mulf %bitcast_convert_type3A_153, %sub3A_157 : vector<16xf32>
        %mul3A_159 = arith.mulf %abs3A, %mul3A_158 : vector<16xf32>
        %jit3A = arith.constant 0.000000e+00 : f32
        %broadcast_in_dim3A_160 = vector.broadcast %jit3A : f32 to vector<16xf32>
        %select_n3A = arith.select %gt3A_149, %mul3A_159, %broadcast_in_dim3A_160 : vector<16xi1>, vector<16xf32>
        %add3A_161 = arith.addf %scan3A_111, %select_n3A : vector<16xf32>
        %jit3A_162 = arith.constant 1.000000e+00 : f32
        %jit3A_163 = arith.constant 0.000000e+00 : f32
        %broadcast_in_dim3A_164 = vector.broadcast %jit3A_162 : f32 to vector<16xf32>
        %broadcast_in_dim3A_165 = vector.broadcast %jit3A_163 : f32 to vector<16xf32>
        %select_n3A_166 = arith.select %gt3A_149, %broadcast_in_dim3A_164, %broadcast_in_dim3A_165 : vector<16xi1>, vector<16xf32>
        %add3A_167 = arith.addf %scan3A_112, %select_n3A_166 : vector<16xf32>
        %add3A_168 = arith.constant 16 : i32
        %add3A_169 = arith.addi %mul3A_136, %add3A_168 : i32
        %get3A_170 = arith.index_cast %add3A_169 : i32 to index
        %get3A_171 = tpu.vector_load %arg8[%get3A_170] {strides = array<i32>} : memref<16384xf32, #tpu.memory_space<vmem>>, vector<16xf32>,
        %get3A_172 = vector.shape_cast %get3A_171 : vector<16xf32> to vector<16xf32>
        %add3A_173 = arith.constant 16 : i32
        %add3A_174 = arith.addi %mul3A_136, %add3A_173 : i32
        %get3A_175 = arith.index_cast %add3A_174 : i32 to index
        %get3A_176 = tpu.vector_load %arg6[%get3A_175] {strides = array<i32>} : memref<16384xf32, #tpu.memory_space<vmem>>, vector<16xf32>,
        %get3A_177 = vector.shape_cast %get3A_176 : vector<16xf32> to vector<16xf32>
        %sub3A_178 = arith.subf %get3A_172, %get3A_177 : vector<16xf32>
        %mul3A_179 = arith.mulf %sub3A_178, %sub3A_178 : vector<16xf32>
        %add3A_180 = arith.addf %scan3A_116, %mul3A_179 : vector<16xf32>
        %gt3A_181 = arith.constant 2.000000e-01 : f32
        %gt3A_182 = vector.broadcast %gt3A_181 : f32 to vector<16xf32>
        %gt3A_183 = arith.cmpf ogt, %get3A_172, %gt3A_182 : vector<16xf32>
        %abs3A_184 = math.absf %sub3A_178 : vector<16xf32>
        %bitcast_convert_type3A_185 = tpu.bitcast %get3A_172 : vector<16xf32> -> vector<16xi32>
        %sub3A_186 = arith.constant 2129859011 : i32
        %sub3A_187 = vector.broadcast %sub3A_186 : i32 to vector<16xi32>
        %sub3A_188 = arith.subi %sub3A_187, %bitcast_convert_type3A_185 : vector<16xi32>
        %bitcast_convert_type3A_189 = tpu.bitcast %sub3A_188 : vector<16xi32> -> vector<16xf32>
        %mul3A_190 = arith.mulf %get3A_172, %bitcast_convert_type3A_189 : vector<16xf32>
        %sub3A_191 = arith.constant 2.000000e+00 : f32
        %sub3A_192 = vector.broadcast %sub3A_191 : f32 to vector<16xf32>
        %sub3A_193 = arith.subf %sub3A_192, %mul3A_190 : vector<16xf32>
        %mul3A_194 = arith.mulf %bitcast_convert_type3A_189, %sub3A_193 : vector<16xf32>
        %mul3A_195 = arith.mulf %abs3A_184, %mul3A_194 : vector<16xf32>
        %jit3A_196 = arith.constant 0.000000e+00 : f32
        %broadcast_in_dim3A_197 = vector.broadcast %jit3A_196 : f32 to vector<16xf32>
        %select_n3A_198 = arith.select %gt3A_183, %mul3A_195, %broadcast_in_dim3A_197 : vector<16xi1>, vector<16xf32>
        %add3A_199 = arith.addf %scan3A_114, %select_n3A_198 : vector<16xf32>
        %jit3A_200 = arith.constant 1.000000e+00 : f32
        %jit3A_201 = arith.constant 0.000000e+00 : f32
        %broadcast_in_dim3A_202 = vector.broadcast %jit3A_200 : f32 to vector<16xf32>
        %broadcast_in_dim3A_203 = vector.broadcast %jit3A_201 : f32 to vector<16xf32>
        %select_n3A_204 = arith.select %gt3A_183, %broadcast_in_dim3A_202, %broadcast_in_dim3A_203 : vector<16xi1>, vector<16xf32>
        %add3A_205 = arith.addf %scan3A_115, %select_n3A_204 : vector<16xf32>
        %add3A_206 = arith.constant 32 : i32
        %add3A_207 = arith.addi %mul3A_136, %add3A_206 : i32
        %get3A_208 = arith.index_cast %add3A_207 : i32 to index
        %get3A_209 = tpu.vector_load %arg8[%get3A_208] {strides = array<i32>} : memref<16384xf32, #tpu.memory_space<vmem>>, vector<16xf32>,
        %get3A_210 = vector.shape_cast %get3A_209 : vector<16xf32> to vector<16xf32>
        %add3A_211 = arith.constant 32 : i32
        %add3A_212 = arith.addi %mul3A_136, %add3A_211 : i32
        %get3A_213 = arith.index_cast %add3A_212 : i32 to index
        %get3A_214 = tpu.vector_load %arg6[%get3A_213] {strides = array<i32>} : memref<16384xf32, #tpu.memory_space<vmem>>, vector<16xf32>,
        %get3A_215 = vector.shape_cast %get3A_214 : vector<16xf32> to vector<16xf32>
        %sub3A_216 = arith.subf %get3A_210, %get3A_215 : vector<16xf32>
        %mul3A_217 = arith.mulf %sub3A_216, %sub3A_216 : vector<16xf32>
        %add3A_218 = arith.addf %scan3A_119, %mul3A_217 : vector<16xf32>
        %gt3A_219 = arith.constant 2.000000e-01 : f32
        %gt3A_220 = vector.broadcast %gt3A_219 : f32 to vector<16xf32>
        %gt3A_221 = arith.cmpf ogt, %get3A_210, %gt3A_220 : vector<16xf32>
        %abs3A_222 = math.absf %sub3A_216 : vector<16xf32>
        %bitcast_convert_type3A_223 = tpu.bitcast %get3A_210 : vector<16xf32> -> vector<16xi32>
        %sub3A_224 = arith.constant 2129859011 : i32
        %sub3A_225 = vector.broadcast %sub3A_224 : i32 to vector<16xi32>
        %sub3A_226 = arith.subi %sub3A_225, %bitcast_convert_type3A_223 : vector<16xi32>
        %bitcast_convert_type3A_227 = tpu.bitcast %sub3A_226 : vector<16xi32> -> vector<16xf32>
        %mul3A_228 = arith.mulf %get3A_210, %bitcast_convert_type3A_227 : vector<16xf32>
        %sub3A_229 = arith.constant 2.000000e+00 : f32
        %sub3A_230 = vector.broadcast %sub3A_229 : f32 to vector<16xf32>
        %sub3A_231 = arith.subf %sub3A_230, %mul3A_228 : vector<16xf32>
        %mul3A_232 = arith.mulf %bitcast_convert_type3A_227, %sub3A_231 : vector<16xf32>
        %mul3A_233 = arith.mulf %abs3A_222, %mul3A_232 : vector<16xf32>
        %jit3A_234 = arith.constant 0.000000e+00 : f32
        %broadcast_in_dim3A_235 = vector.broadcast %jit3A_234 : f32 to vector<16xf32>
        %select_n3A_236 = arith.select %gt3A_221, %mul3A_233, %broadcast_in_dim3A_235 : vector<16xi1>, vector<16xf32>
        %add3A_237 = arith.addf %scan3A_117, %select_n3A_236 : vector<16xf32>
        %jit3A_238 = arith.constant 1.000000e+00 : f32
        %jit3A_239 = arith.constant 0.000000e+00 : f32
        %broadcast_in_dim3A_240 = vector.broadcast %jit3A_238 : f32 to vector<16xf32>
        %broadcast_in_dim3A_241 = vector.broadcast %jit3A_239 : f32 to vector<16xf32>
        %select_n3A_242 = arith.select %gt3A_221, %broadcast_in_dim3A_240, %broadcast_in_dim3A_241 : vector<16xi1>, vector<16xf32>
        %add3A_243 = arith.addf %scan3A_118, %select_n3A_242 : vector<16xf32>
        %add3A_244 = arith.constant 48 : i32
        %add3A_245 = arith.addi %mul3A_136, %add3A_244 : i32
        %get3A_246 = arith.index_cast %add3A_245 : i32 to index
        %get3A_247 = tpu.vector_load %arg8[%get3A_246] {strides = array<i32>} : memref<16384xf32, #tpu.memory_space<vmem>>, vector<16xf32>,
        %get3A_248 = vector.shape_cast %get3A_247 : vector<16xf32> to vector<16xf32>
        %add3A_249 = arith.constant 48 : i32
        %add3A_250 = arith.addi %mul3A_136, %add3A_249 : i32
        %get3A_251 = arith.index_cast %add3A_250 : i32 to index
        %get3A_252 = tpu.vector_load %arg6[%get3A_251] {strides = array<i32>} : memref<16384xf32, #tpu.memory_space<vmem>>, vector<16xf32>,
        %get3A_253 = vector.shape_cast %get3A_252 : vector<16xf32> to vector<16xf32>
        %sub3A_254 = arith.subf %get3A_248, %get3A_253 : vector<16xf32>
        %mul3A_255 = arith.mulf %sub3A_254, %sub3A_254 : vector<16xf32>
        %add3A_256 = arith.addf %scan3A_122, %mul3A_255 : vector<16xf32>
        %gt3A_257 = arith.constant 2.000000e-01 : f32
        %gt3A_258 = vector.broadcast %gt3A_257 : f32 to vector<16xf32>
        %gt3A_259 = arith.cmpf ogt, %get3A_248, %gt3A_258 : vector<16xf32>
        %abs3A_260 = math.absf %sub3A_254 : vector<16xf32>
        %bitcast_convert_type3A_261 = tpu.bitcast %get3A_248 : vector<16xf32> -> vector<16xi32>
        %sub3A_262 = arith.constant 2129859011 : i32
        %sub3A_263 = vector.broadcast %sub3A_262 : i32 to vector<16xi32>
        %sub3A_264 = arith.subi %sub3A_263, %bitcast_convert_type3A_261 : vector<16xi32>
        %bitcast_convert_type3A_265 = tpu.bitcast %sub3A_264 : vector<16xi32> -> vector<16xf32>
        %mul3A_266 = arith.mulf %get3A_248, %bitcast_convert_type3A_265 : vector<16xf32>
        %sub3A_267 = arith.constant 2.000000e+00 : f32
        %sub3A_268 = vector.broadcast %sub3A_267 : f32 to vector<16xf32>
        %sub3A_269 = arith.subf %sub3A_268, %mul3A_266 : vector<16xf32>
        %mul3A_270 = arith.mulf %bitcast_convert_type3A_265, %sub3A_269 : vector<16xf32>
        %mul3A_271 = arith.mulf %abs3A_260, %mul3A_270 : vector<16xf32>
        %jit3A_272 = arith.constant 0.000000e+00 : f32
        %broadcast_in_dim3A_273 = vector.broadcast %jit3A_272 : f32 to vector<16xf32>
        %select_n3A_274 = arith.select %gt3A_259, %mul3A_271, %broadcast_in_dim3A_273 : vector<16xi1>, vector<16xf32>
        %add3A_275 = arith.addf %scan3A_120, %select_n3A_274 : vector<16xf32>
        %jit3A_276 = arith.constant 1.000000e+00 : f32
        %jit3A_277 = arith.constant 0.000000e+00 : f32
        %broadcast_in_dim3A_278 = vector.broadcast %jit3A_276 : f32 to vector<16xf32>
        %broadcast_in_dim3A_279 = vector.broadcast %jit3A_277 : f32 to vector<16xf32>
        %select_n3A_280 = arith.select %gt3A_259, %broadcast_in_dim3A_278, %broadcast_in_dim3A_279 : vector<16xi1>, vector<16xf32>
        %add3A_281 = arith.addf %scan3A_121, %select_n3A_280 : vector<16xf32>
        %add3A_282 = arith.constant 64 : i32
        %add3A_283 = arith.addi %mul3A_136, %add3A_282 : i32
        %get3A_284 = arith.index_cast %add3A_283 : i32 to index
        %get3A_285 = tpu.vector_load %arg8[%get3A_284] {strides = array<i32>} : memref<16384xf32, #tpu.memory_space<vmem>>, vector<16xf32>,
        %get3A_286 = vector.shape_cast %get3A_285 : vector<16xf32> to vector<16xf32>
        %add3A_287 = arith.constant 64 : i32
        %add3A_288 = arith.addi %mul3A_136, %add3A_287 : i32
        %get3A_289 = arith.index_cast %add3A_288 : i32 to index
        %get3A_290 = tpu.vector_load %arg6[%get3A_289] {strides = array<i32>} : memref<16384xf32, #tpu.memory_space<vmem>>, vector<16xf32>,
        %get3A_291 = vector.shape_cast %get3A_290 : vector<16xf32> to vector<16xf32>
        %sub3A_292 = arith.subf %get3A_286, %get3A_291 : vector<16xf32>
        %mul3A_293 = arith.mulf %sub3A_292, %sub3A_292 : vector<16xf32>
        %add3A_294 = arith.addf %scan3A_125, %mul3A_293 : vector<16xf32>
        %gt3A_295 = arith.constant 2.000000e-01 : f32
        %gt3A_296 = vector.broadcast %gt3A_295 : f32 to vector<16xf32>
        %gt3A_297 = arith.cmpf ogt, %get3A_286, %gt3A_296 : vector<16xf32>
        %abs3A_298 = math.absf %sub3A_292 : vector<16xf32>
        %bitcast_convert_type3A_299 = tpu.bitcast %get3A_286 : vector<16xf32> -> vector<16xi32>
        %sub3A_300 = arith.constant 2129859011 : i32
        %sub3A_301 = vector.broadcast %sub3A_300 : i32 to vector<16xi32>
        %sub3A_302 = arith.subi %sub3A_301, %bitcast_convert_type3A_299 : vector<16xi32>
        %bitcast_convert_type3A_303 = tpu.bitcast %sub3A_302 : vector<16xi32> -> vector<16xf32>
        %mul3A_304 = arith.mulf %get3A_286, %bitcast_convert_type3A_303 : vector<16xf32>
        %sub3A_305 = arith.constant 2.000000e+00 : f32
        %sub3A_306 = vector.broadcast %sub3A_305 : f32 to vector<16xf32>
        %sub3A_307 = arith.subf %sub3A_306, %mul3A_304 : vector<16xf32>
        %mul3A_308 = arith.mulf %bitcast_convert_type3A_303, %sub3A_307 : vector<16xf32>
        %mul3A_309 = arith.mulf %abs3A_298, %mul3A_308 : vector<16xf32>
        %jit3A_310 = arith.constant 0.000000e+00 : f32
        %broadcast_in_dim3A_311 = vector.broadcast %jit3A_310 : f32 to vector<16xf32>
        %select_n3A_312 = arith.select %gt3A_297, %mul3A_309, %broadcast_in_dim3A_311 : vector<16xi1>, vector<16xf32>
        %add3A_313 = arith.addf %scan3A_123, %select_n3A_312 : vector<16xf32>
        %jit3A_314 = arith.constant 1.000000e+00 : f32
        %jit3A_315 = arith.constant 0.000000e+00 : f32
        %broadcast_in_dim3A_316 = vector.broadcast %jit3A_314 : f32 to vector<16xf32>
        %broadcast_in_dim3A_317 = vector.broadcast %jit3A_315 : f32 to vector<16xf32>
        %select_n3A_318 = arith.select %gt3A_297, %broadcast_in_dim3A_316, %broadcast_in_dim3A_317 : vector<16xi1>, vector<16xf32>
        %add3A_319 = arith.addf %scan3A_124, %select_n3A_318 : vector<16xf32>
        %add3A_320 = arith.constant 80 : i32
        %add3A_321 = arith.addi %mul3A_136, %add3A_320 : i32
        %get3A_322 = arith.index_cast %add3A_321 : i32 to index
        %get3A_323 = tpu.vector_load %arg8[%get3A_322] {strides = array<i32>} : memref<16384xf32, #tpu.memory_space<vmem>>, vector<16xf32>,
        %get3A_324 = vector.shape_cast %get3A_323 : vector<16xf32> to vector<16xf32>
        %add3A_325 = arith.constant 80 : i32
        %add3A_326 = arith.addi %mul3A_136, %add3A_325 : i32
        %get3A_327 = arith.index_cast %add3A_326 : i32 to index
        %get3A_328 = tpu.vector_load %arg6[%get3A_327] {strides = array<i32>} : memref<16384xf32, #tpu.memory_space<vmem>>, vector<16xf32>,
        %get3A_329 = vector.shape_cast %get3A_328 : vector<16xf32> to vector<16xf32>
        %sub3A_330 = arith.subf %get3A_324, %get3A_329 : vector<16xf32>
        %mul3A_331 = arith.mulf %sub3A_330, %sub3A_330 : vector<16xf32>
        %add3A_332 = arith.addf %scan3A_128, %mul3A_331 : vector<16xf32>
        %gt3A_333 = arith.constant 2.000000e-01 : f32
        %gt3A_334 = vector.broadcast %gt3A_333 : f32 to vector<16xf32>
        %gt3A_335 = arith.cmpf ogt, %get3A_324, %gt3A_334 : vector<16xf32>
        %abs3A_336 = math.absf %sub3A_330 : vector<16xf32>
        %bitcast_convert_type3A_337 = tpu.bitcast %get3A_324 : vector<16xf32> -> vector<16xi32>
        %sub3A_338 = arith.constant 2129859011 : i32
        %sub3A_339 = vector.broadcast %sub3A_338 : i32 to vector<16xi32>
        %sub3A_340 = arith.subi %sub3A_339, %bitcast_convert_type3A_337 : vector<16xi32>
        %bitcast_convert_type3A_341 = tpu.bitcast %sub3A_340 : vector<16xi32> -> vector<16xf32>
        %mul3A_342 = arith.mulf %get3A_324, %bitcast_convert_type3A_341 : vector<16xf32>
        %sub3A_343 = arith.constant 2.000000e+00 : f32
        %sub3A_344 = vector.broadcast %sub3A_343 : f32 to vector<16xf32>
        %sub3A_345 = arith.subf %sub3A_344, %mul3A_342 : vector<16xf32>
        %mul3A_346 = arith.mulf %bitcast_convert_type3A_341, %sub3A_345 : vector<16xf32>
        %mul3A_347 = arith.mulf %abs3A_336, %mul3A_346 : vector<16xf32>
        %jit3A_348 = arith.constant 0.000000e+00 : f32
        %broadcast_in_dim3A_349 = vector.broadcast %jit3A_348 : f32 to vector<16xf32>
        %select_n3A_350 = arith.select %gt3A_335, %mul3A_347, %broadcast_in_dim3A_349 : vector<16xi1>, vector<16xf32>
        %add3A_351 = arith.addf %scan3A_126, %select_n3A_350 : vector<16xf32>
        %jit3A_352 = arith.constant 1.000000e+00 : f32
        %jit3A_353 = arith.constant 0.000000e+00 : f32
        %broadcast_in_dim3A_354 = vector.broadcast %jit3A_352 : f32 to vector<16xf32>
        %broadcast_in_dim3A_355 = vector.broadcast %jit3A_353 : f32 to vector<16xf32>
        %select_n3A_356 = arith.select %gt3A_335, %broadcast_in_dim3A_354, %broadcast_in_dim3A_355 : vector<16xi1>, vector<16xf32>
        %add3A_357 = arith.addf %scan3A_127, %select_n3A_356 : vector<16xf32>
        %add3A_358 = arith.constant 96 : i32
        %add3A_359 = arith.addi %mul3A_136, %add3A_358 : i32
        %get3A_360 = arith.index_cast %add3A_359 : i32 to index
        %get3A_361 = tpu.vector_load %arg8[%get3A_360] {strides = array<i32>} : memref<16384xf32, #tpu.memory_space<vmem>>, vector<16xf32>,
        %get3A_362 = vector.shape_cast %get3A_361 : vector<16xf32> to vector<16xf32>
        %add3A_363 = arith.constant 96 : i32
        %add3A_364 = arith.addi %mul3A_136, %add3A_363 : i32
        %get3A_365 = arith.index_cast %add3A_364 : i32 to index
        %get3A_366 = tpu.vector_load %arg6[%get3A_365] {strides = array<i32>} : memref<16384xf32, #tpu.memory_space<vmem>>, vector<16xf32>,
        %get3A_367 = vector.shape_cast %get3A_366 : vector<16xf32> to vector<16xf32>
        %sub3A_368 = arith.subf %get3A_362, %get3A_367 : vector<16xf32>
        %mul3A_369 = arith.mulf %sub3A_368, %sub3A_368 : vector<16xf32>
        %add3A_370 = arith.addf %scan3A_131, %mul3A_369 : vector<16xf32>
        %gt3A_371 = arith.constant 2.000000e-01 : f32
        %gt3A_372 = vector.broadcast %gt3A_371 : f32 to vector<16xf32>
        %gt3A_373 = arith.cmpf ogt, %get3A_362, %gt3A_372 : vector<16xf32>
        %abs3A_374 = math.absf %sub3A_368 : vector<16xf32>
        %bitcast_convert_type3A_375 = tpu.bitcast %get3A_362 : vector<16xf32> -> vector<16xi32>
        %sub3A_376 = arith.constant 2129859011 : i32
        %sub3A_377 = vector.broadcast %sub3A_376 : i32 to vector<16xi32>
        %sub3A_378 = arith.subi %sub3A_377, %bitcast_convert_type3A_375 : vector<16xi32>
        %bitcast_convert_type3A_379 = tpu.bitcast %sub3A_378 : vector<16xi32> -> vector<16xf32>
        %mul3A_380 = arith.mulf %get3A_362, %bitcast_convert_type3A_379 : vector<16xf32>
        %sub3A_381 = arith.constant 2.000000e+00 : f32
        %sub3A_382 = vector.broadcast %sub3A_381 : f32 to vector<16xf32>
        %sub3A_383 = arith.subf %sub3A_382, %mul3A_380 : vector<16xf32>
        %mul3A_384 = arith.mulf %bitcast_convert_type3A_379, %sub3A_383 : vector<16xf32>
        %mul3A_385 = arith.mulf %abs3A_374, %mul3A_384 : vector<16xf32>
        %jit3A_386 = arith.constant 0.000000e+00 : f32
        %broadcast_in_dim3A_387 = vector.broadcast %jit3A_386 : f32 to vector<16xf32>
        %select_n3A_388 = arith.select %gt3A_373, %mul3A_385, %broadcast_in_dim3A_387 : vector<16xi1>, vector<16xf32>
        %add3A_389 = arith.addf %scan3A_129, %select_n3A_388 : vector<16xf32>
        %jit3A_390 = arith.constant 1.000000e+00 : f32
        %jit3A_391 = arith.constant 0.000000e+00 : f32
        %broadcast_in_dim3A_392 = vector.broadcast %jit3A_390 : f32 to vector<16xf32>
        %broadcast_in_dim3A_393 = vector.broadcast %jit3A_391 : f32 to vector<16xf32>
        %select_n3A_394 = arith.select %gt3A_373, %broadcast_in_dim3A_392, %broadcast_in_dim3A_393 : vector<16xi1>, vector<16xf32>
        %add3A_395 = arith.addf %scan3A_130, %select_n3A_394 : vector<16xf32>
        %add3A_396 = arith.constant 112 : i32
        %add3A_397 = arith.addi %mul3A_136, %add3A_396 : i32
        %get3A_398 = arith.index_cast %add3A_397 : i32 to index
        %get3A_399 = tpu.vector_load %arg8[%get3A_398] {strides = array<i32>} : memref<16384xf32, #tpu.memory_space<vmem>>, vector<16xf32>,
        %get3A_400 = vector.shape_cast %get3A_399 : vector<16xf32> to vector<16xf32>
        %add3A_401 = arith.constant 112 : i32
        %add3A_402 = arith.addi %mul3A_136, %add3A_401 : i32
        %get3A_403 = arith.index_cast %add3A_402 : i32 to index
        %get3A_404 = tpu.vector_load %arg6[%get3A_403] {strides = array<i32>} : memref<16384xf32, #tpu.memory_space<vmem>>, vector<16xf32>,
        %get3A_405 = vector.shape_cast %get3A_404 : vector<16xf32> to vector<16xf32>
        %sub3A_406 = arith.subf %get3A_400, %get3A_405 : vector<16xf32>
        %mul3A_407 = arith.mulf %sub3A_406, %sub3A_406 : vector<16xf32>
        %add3A_408 = arith.addf %scan3A_134, %mul3A_407 : vector<16xf32>
        %gt3A_409 = arith.constant 2.000000e-01 : f32
        %gt3A_410 = vector.broadcast %gt3A_409 : f32 to vector<16xf32>
        %gt3A_411 = arith.cmpf ogt, %get3A_400, %gt3A_410 : vector<16xf32>
        %abs3A_412 = math.absf %sub3A_406 : vector<16xf32>
        %bitcast_convert_type3A_413 = tpu.bitcast %get3A_400 : vector<16xf32> -> vector<16xi32>
        %sub3A_414 = arith.constant 2129859011 : i32
        %sub3A_415 = vector.broadcast %sub3A_414 : i32 to vector<16xi32>
        %sub3A_416 = arith.subi %sub3A_415, %bitcast_convert_type3A_413 : vector<16xi32>
        %bitcast_convert_type3A_417 = tpu.bitcast %sub3A_416 : vector<16xi32> -> vector<16xf32>
        %mul3A_418 = arith.mulf %get3A_400, %bitcast_convert_type3A_417 : vector<16xf32>
        %sub3A_419 = arith.constant 2.000000e+00 : f32
        %sub3A_420 = vector.broadcast %sub3A_419 : f32 to vector<16xf32>
        %sub3A_421 = arith.subf %sub3A_420, %mul3A_418 : vector<16xf32>
        %mul3A_422 = arith.mulf %bitcast_convert_type3A_417, %sub3A_421 : vector<16xf32>
        %mul3A_423 = arith.mulf %abs3A_412, %mul3A_422 : vector<16xf32>
        %jit3A_424 = arith.constant 0.000000e+00 : f32
        %broadcast_in_dim3A_425 = vector.broadcast %jit3A_424 : f32 to vector<16xf32>
        %select_n3A_426 = arith.select %gt3A_411, %mul3A_423, %broadcast_in_dim3A_425 : vector<16xi1>, vector<16xf32>
        %add3A_427 = arith.addf %scan3A_132, %select_n3A_426 : vector<16xf32>
        %jit3A_428 = arith.constant 1.000000e+00 : f32
        %jit3A_429 = arith.constant 0.000000e+00 : f32
        %broadcast_in_dim3A_430 = vector.broadcast %jit3A_428 : f32 to vector<16xf32>
        %broadcast_in_dim3A_431 = vector.broadcast %jit3A_429 : f32 to vector<16xf32>
        %select_n3A_432 = arith.select %gt3A_411, %broadcast_in_dim3A_430, %broadcast_in_dim3A_431 : vector<16xi1>, vector<16xf32>
        %add3A_433 = arith.addf %scan3A_133, %select_n3A_432 : vector<16xf32>
        scf.yield %add3A_161, %add3A_167, %add3A_147, %add3A_199, %add3A_205, %add3A_180, %add3A_237, %add3A_243, %add3A_218, %add3A_275, %add3A_281, %add3A_256, %add3A_313, %add3A_319, %add3A_294, %add3A_351, %add3A_357, %add3A_332, %add3A_389, %add3A_395, %add3A_370, %add3A_427, %add3A_433, %add3A_408 : vector<16xf32>, vector<16xf32>, vector<16xf32>, vector<16xf32>, vector<16xf32>, vector<16xf32>, vector<16xf32>, vector<16xf32>, vector<16xf32>, vector<16xf32>, vector<16xf32>, vector<16xf32>, vector<16xf32>, vector<16xf32>, vector<16xf32>, vector<16xf32>, vector<16xf32>, vector<16xf32>, vector<16xf32>, vector<16xf32>, vector<16xf32>, vector<16xf32>, vector<16xf32>, vector<16xf32>
      }
      %scan3A_104 = arith.constant 128 : i32
      %lt3A_105 = arith.constant 4 : i32
      %lt3A_106 = arith.cmpi slt, %scan3A_52, %lt3A_105 : i32
      %convert_element_type3A_107 = arith.extui %lt3A_106 : i1 to i32
      %cond3A_108 = arith.constant 0 : i32
      %cond3A_109 = arith.cmpi ne, %convert_element_type3A_107, %cond3A_108 : i32
      scf.if %cond3A_109 {
        %add3A_110 = arith.constant 32768 : i32
        %add3A_111 = arith.addi %add3A_94, %add3A_110 : i32
        %dma_start3A_112 = tpu.memref_slice %arg2[%add3A_111] : memref<16777216xf32, #tpu.memory_space<hbm>> -> memref<16384xf32, #tpu.memory_space<hbm>>
        %dma_start3A_113 = tpu.memref_slice %arg2[%add3A_111] : memref<16777216xf32, #tpu.memory_space<hbm>> -> memref<16384xf32, #tpu.memory_space<hbm>>
        tpu.enqueue_dma source(%dma_start3A_113 : memref<16384xf32, #tpu.memory_space<hbm>>) target(%arg6 : memref<16384xf32, #tpu.memory_space<vmem>>) target_semaphore(%arg11 : memref<!tpu.dma_semaphore, #tpu.memory_space<semaphore_mem>>)
        %add3A_114 = arith.constant 32768 : i32
        %add3A_115 = arith.addi %add3A_94, %add3A_114 : i32
        %dma_start3A_116 = tpu.memref_slice %arg3[%add3A_115] : memref<16777216xf32, #tpu.memory_space<hbm>> -> memref<16384xf32, #tpu.memory_space<hbm>>
        %dma_start3A_117 = tpu.memref_slice %arg3[%add3A_115] : memref<16777216xf32, #tpu.memory_space<hbm>> -> memref<16384xf32, #tpu.memory_space<hbm>>
        tpu.enqueue_dma source(%dma_start3A_117 : memref<16384xf32, #tpu.memory_space<hbm>>) target(%arg8 : memref<16384xf32, #tpu.memory_space<vmem>>) target_semaphore(%arg13 : memref<!tpu.dma_semaphore, #tpu.memory_space<semaphore_mem>>)
      } else {
      }
      scf.yield %scan3A_103#0, %scan3A_103#1, %scan3A_103#2, %scan3A_103#3, %scan3A_103#4, %scan3A_103#5, %scan3A_103#6, %scan3A_103#7, %scan3A_103#8, %scan3A_103#9, %scan3A_103#10, %scan3A_103#11, %scan3A_103#12, %scan3A_103#13, %scan3A_103#14, %scan3A_103#15, %scan3A_103#16, %scan3A_103#17, %scan3A_103#18, %scan3A_103#19, %scan3A_103#20, %scan3A_103#21, %scan3A_103#22, %scan3A_103#23 : vector<16xf32>, vector<16xf32>, vector<16xf32>, vector<16xf32>, vector<16xf32>, vector<16xf32>, vector<16xf32>, vector<16xf32>, vector<16xf32>, vector<16xf32>, vector<16xf32>, vector<16xf32>, vector<16xf32>, vector<16xf32>, vector<16xf32>, vector<16xf32>, vector<16xf32>, vector<16xf32>, vector<16xf32>, vector<16xf32>, vector<16xf32>, vector<16xf32>, vector<16xf32>, vector<16xf32>
    }
    %scan3A_19 = arith.constant 5 : i32
    %add3A_20 = arith.addf %scan3A_18#0, %scan3A_18#3 : vector<16xf32>
    %add3A_21 = arith.addf %scan3A_18#1, %scan3A_18#4 : vector<16xf32>
    %add3A_22 = arith.addf %scan3A_18#2, %scan3A_18#5 : vector<16xf32>
    %add3A_23 = arith.addf %add3A_20, %scan3A_18#6 : vector<16xf32>
    %add3A_24 = arith.addf %add3A_21, %scan3A_18#7 : vector<16xf32>
    %add3A_25 = arith.addf %add3A_22, %scan3A_18#8 : vector<16xf32>
    %add3A_26 = arith.addf %add3A_23, %scan3A_18#9 : vector<16xf32>
    %add3A_27 = arith.addf %add3A_24, %scan3A_18#10 : vector<16xf32>
    %add3A_28 = arith.addf %add3A_25, %scan3A_18#11 : vector<16xf32>
    %add3A_29 = arith.addf %add3A_26, %scan3A_18#12 : vector<16xf32>
    %add3A_30 = arith.addf %add3A_27, %scan3A_18#13 : vector<16xf32>
    %add3A_31 = arith.addf %add3A_28, %scan3A_18#14 : vector<16xf32>
    %add3A_32 = arith.addf %add3A_29, %scan3A_18#15 : vector<16xf32>
    %add3A_33 = arith.addf %add3A_30, %scan3A_18#16 : vector<16xf32>
    %add3A_34 = arith.addf %add3A_31, %scan3A_18#17 : vector<16xf32>
    %add3A_35 = arith.addf %add3A_32, %scan3A_18#18 : vector<16xf32>
    %add3A_36 = arith.addf %add3A_33, %scan3A_18#19 : vector<16xf32>
    %add3A_37 = arith.addf %add3A_34, %scan3A_18#20 : vector<16xf32>
    %add3A_38 = arith.addf %add3A_35, %scan3A_18#21 : vector<16xf32>
    %add3A_39 = arith.addf %add3A_36, %scan3A_18#22 : vector<16xf32>
    %add3A_40 = arith.addf %add3A_37, %scan3A_18#23 : vector<16xf32>
    %swap3A = arith.constant 0 : index
    %swap3A_41 = tpu.vector_load %arg9[%swap3A] {strides = array<i32>} : memref<48xf32, #tpu.memory_space<vmem>>, vector<16xf32>,
    %swap3A_42 = vector.shape_cast %swap3A_41 : vector<16xf32> to vector<16xf32>
    %swap3A_43 = vector.shape_cast %add3A_38 : vector<16xf32> to vector<16xf32>
    tpu.vector_store %arg9[%swap3A], %swap3A_43 {strides = array<i32>} : memref<48xf32, #tpu.memory_space<vmem>>, vector<16xf32>,
    %swap3A_44 = arith.constant 16 : index
    %swap3A_45 = tpu.vector_load %arg9[%swap3A_44] {strides = array<i32>} : memref<48xf32, #tpu.memory_space<vmem>>, vector<16xf32>,
    %swap3A_46 = vector.shape_cast %swap3A_45 : vector<16xf32> to vector<16xf32>
    %swap3A_47 = vector.shape_cast %add3A_39 : vector<16xf32> to vector<16xf32>
    tpu.vector_store %arg9[%swap3A_44], %swap3A_47 {strides = array<i32>} : memref<48xf32, #tpu.memory_space<vmem>>, vector<16xf32>,
    %swap3A_48 = arith.constant 32 : index
    %swap3A_49 = tpu.vector_load %arg9[%swap3A_48] {strides = array<i32>} : memref<48xf32, #tpu.memory_space<vmem>>, vector<16xf32>,
    %swap3A_50 = vector.shape_cast %swap3A_49 : vector<16xf32> to vector<16xf32>
    %swap3A_51 = vector.shape_cast %add3A_40 : vector<16xf32> to vector<16xf32>
    tpu.vector_store %arg9[%swap3A_48], %swap3A_51 {strides = array<i32>} : memref<48xf32, #tpu.memory_space<vmem>>, vector<16xf32>,
    "tpu.region"() ({
      %run_scoped3A = tpu.sem_alloc : memref<!tpu.dma_semaphore, #tpu.memory_space<semaphore_mem>>
      %dma_start3A_52 = arith.constant 0 : i32
      %dma_start3A_53 = tpu.memref_slice %arg4[%add3A, %dma_start3A_52] : memref<32x48xf32, #tpu.memory_space<hbm>> -> memref<1x48xf32, #tpu.memory_space<hbm>>
      %dma_start3A_54 = tpu.memref_squeeze %dma_start3A_53 : memref<1x48xf32, #tpu.memory_space<hbm>> -> memref<48xf32, #tpu.memory_space<hbm>>
      %dma_start3A_55 = arith.constant 0 : i32
      %dma_start3A_56 = tpu.memref_slice %arg4[%add3A, %dma_start3A_55] : memref<32x48xf32, #tpu.memory_space<hbm>> -> memref<1x48xf32, #tpu.memory_space<hbm>>
      %dma_start3A_57 = tpu.memref_squeeze %dma_start3A_56 : memref<1x48xf32, #tpu.memory_space<hbm>> -> memref<48xf32, #tpu.memory_space<hbm>>
      tpu.enqueue_dma source(%arg9 : memref<48xf32, #tpu.memory_space<vmem>>) target(%dma_start3A_57 : memref<48xf32, #tpu.memory_space<hbm>>) target_semaphore(%run_scoped3A : memref<!tpu.dma_semaphore, #tpu.memory_space<semaphore_mem>>)
      %dma_wait3A = arith.constant 0 : i32
      %dma_wait3A_58 = tpu.memref_slice %arg4[%add3A, %dma_wait3A] : memref<32x48xf32, #tpu.memory_space<hbm>> -> memref<1x48xf32, #tpu.memory_space<hbm>>
      %dma_wait3A_59 = tpu.memref_squeeze %dma_wait3A_58 : memref<1x48xf32, #tpu.memory_space<hbm>> -> memref<48xf32, #tpu.memory_space<hbm>>
      %dma_wait3A_60 = arith.constant 0 : i32
      %dma_wait3A_61 = tpu.memref_slice %arg4[%add3A, %dma_wait3A_60] : memref<32x48xf32, #tpu.memory_space<hbm>> -> memref<1x48xf32, #tpu.memory_space<hbm>>
      %dma_wait3A_62 = tpu.memref_squeeze %dma_wait3A_61 : memref<1x48xf32, #tpu.memory_space<hbm>> -> memref<48xf32, #tpu.memory_space<hbm>>
      tpu.wait_dma2 semaphore(%run_scoped3A : memref<!tpu.dma_semaphore, #tpu.memory_space<semaphore_mem>>) src(%arg9 : memref<48xf32, #tpu.memory_space<vmem>>) dst(%dma_wait3A_62 : memref<48xf32, #tpu.memory_space<hbm>>)
      tpu.yield
    }) : () -> ()
    return
  }
}

module attributes {stable_mosaic.version = 14 : i64} {
  func.func @_tc_body(%arg0: memref<131072x128xf32, #tpu.memory_space<any>>, %arg1: memref<131072x128xf32, #tpu.memory_space<any>>, %arg2: memref<1x3xf32, #tpu.memory_space<smem>>, %arg3: memref<2048x128xf32, #tpu.memory_space<vmem>>, %arg4: memref<2048x128xf32, #tpu.memory_space<vmem>>, %arg5: memref<2048x128xf32, #tpu.memory_space<vmem>>, %arg6: memref<2048x128xf32, #tpu.memory_space<vmem>>, %arg7: memref<2048x128xf32, #tpu.memory_space<vmem>>, %arg8: memref<2048x128xf32, #tpu.memory_space<vmem>>, %arg9: memref<2048x128xf32, #tpu.memory_space<vmem>>, %arg10: memref<2048x128xf32, #tpu.memory_space<vmem>>, %arg11: memref<!tpu.dma_semaphore, #tpu.memory_space<semaphore_mem>>, %arg12: memref<!tpu.dma_semaphore, #tpu.memory_space<semaphore_mem>>, %arg13: memref<!tpu.dma_semaphore, #tpu.memory_space<semaphore_mem>>, %arg14: memref<!tpu.dma_semaphore, #tpu.memory_space<semaphore_mem>>, %arg15: memref<!tpu.dma_semaphore, #tpu.memory_space<semaphore_mem>>, %arg16: memref<!tpu.dma_semaphore, #tpu.memory_space<semaphore_mem>>, %arg17: memref<!tpu.dma_semaphore, #tpu.memory_space<semaphore_mem>>, %arg18: memref<!tpu.dma_semaphore, #tpu.memory_space<semaphore_mem>>) attributes {dimension_semantics = [], scalar_prefetch = 0 : i64, scratch_operands = 16 : i64, tpu.core_type = #tpu.core_type<tc>} {
    %dma_start3A = arith.constant 40960 : i32
    %dma_start3A_0 = arith.constant 0 : i32
    %dma_start3A_1 = tpu.memref_slice %arg0[%dma_start3A, %dma_start3A_0] : memref<131072x128xf32, #tpu.memory_space<any>> -> memref<2048x128xf32, #tpu.memory_space<any>>
    tpu.enqueue_dma source(%dma_start3A_1 : memref<2048x128xf32, #tpu.memory_space<any>>) target(%arg3 : memref<2048x128xf32, #tpu.memory_space<vmem>>) target_semaphore(%arg11 : memref<!tpu.dma_semaphore, #tpu.memory_space<semaphore_mem>>)
    %dma_start3A_2 = arith.constant 40960 : i32
    %dma_start3A_3 = arith.constant 0 : i32
    %dma_start3A_4 = tpu.memref_slice %arg1[%dma_start3A_2, %dma_start3A_3] : memref<131072x128xf32, #tpu.memory_space<any>> -> memref<2048x128xf32, #tpu.memory_space<any>>
    tpu.enqueue_dma source(%dma_start3A_4 : memref<2048x128xf32, #tpu.memory_space<any>>) target(%arg7 : memref<2048x128xf32, #tpu.memory_space<vmem>>) target_semaphore(%arg15 : memref<!tpu.dma_semaphore, #tpu.memory_space<semaphore_mem>>)
    %dma_start3A_5 = arith.constant 43008 : i32
    %dma_start3A_6 = arith.constant 0 : i32
    %dma_start3A_7 = tpu.memref_slice %arg0[%dma_start3A_5, %dma_start3A_6] : memref<131072x128xf32, #tpu.memory_space<any>> -> memref<2048x128xf32, #tpu.memory_space<any>>
    tpu.enqueue_dma source(%dma_start3A_7 : memref<2048x128xf32, #tpu.memory_space<any>>) target(%arg4 : memref<2048x128xf32, #tpu.memory_space<vmem>>) target_semaphore(%arg12 : memref<!tpu.dma_semaphore, #tpu.memory_space<semaphore_mem>>)
    %dma_start3A_8 = arith.constant 43008 : i32
    %dma_start3A_9 = arith.constant 0 : i32
    %dma_start3A_10 = tpu.memref_slice %arg1[%dma_start3A_8, %dma_start3A_9] : memref<131072x128xf32, #tpu.memory_space<any>> -> memref<2048x128xf32, #tpu.memory_space<any>>
    tpu.enqueue_dma source(%dma_start3A_10 : memref<2048x128xf32, #tpu.memory_space<any>>) target(%arg8 : memref<2048x128xf32, #tpu.memory_space<vmem>>) target_semaphore(%arg16 : memref<!tpu.dma_semaphore, #tpu.memory_space<semaphore_mem>>)
    %dma_start3A_11 = arith.constant 45056 : i32
    %dma_start3A_12 = arith.constant 0 : i32
    %dma_start3A_13 = tpu.memref_slice %arg0[%dma_start3A_11, %dma_start3A_12] : memref<131072x128xf32, #tpu.memory_space<any>> -> memref<2048x128xf32, #tpu.memory_space<any>>
    tpu.enqueue_dma source(%dma_start3A_13 : memref<2048x128xf32, #tpu.memory_space<any>>) target(%arg5 : memref<2048x128xf32, #tpu.memory_space<vmem>>) target_semaphore(%arg13 : memref<!tpu.dma_semaphore, #tpu.memory_space<semaphore_mem>>)
    %dma_start3A_14 = arith.constant 45056 : i32
    %dma_start3A_15 = arith.constant 0 : i32
    %dma_start3A_16 = tpu.memref_slice %arg1[%dma_start3A_14, %dma_start3A_15] : memref<131072x128xf32, #tpu.memory_space<any>> -> memref<2048x128xf32, #tpu.memory_space<any>>
    tpu.enqueue_dma source(%dma_start3A_16 : memref<2048x128xf32, #tpu.memory_space<any>>) target(%arg9 : memref<2048x128xf32, #tpu.memory_space<vmem>>) target_semaphore(%arg17 : memref<!tpu.dma_semaphore, #tpu.memory_space<semaphore_mem>>)
    %dma_start3A_17 = arith.constant 47104 : i32
    %dma_start3A_18 = arith.constant 0 : i32
    %dma_start3A_19 = tpu.memref_slice %arg0[%dma_start3A_17, %dma_start3A_18] : memref<131072x128xf32, #tpu.memory_space<any>> -> memref<2048x128xf32, #tpu.memory_space<any>>
    tpu.enqueue_dma source(%dma_start3A_19 : memref<2048x128xf32, #tpu.memory_space<any>>) target(%arg6 : memref<2048x128xf32, #tpu.memory_space<vmem>>) target_semaphore(%arg14 : memref<!tpu.dma_semaphore, #tpu.memory_space<semaphore_mem>>)
    %dma_start3A_20 = arith.constant 47104 : i32
    %dma_start3A_21 = arith.constant 0 : i32
    %dma_start3A_22 = tpu.memref_slice %arg1[%dma_start3A_20, %dma_start3A_21] : memref<131072x128xf32, #tpu.memory_space<any>> -> memref<2048x128xf32, #tpu.memory_space<any>>
    tpu.enqueue_dma source(%dma_start3A_22 : memref<2048x128xf32, #tpu.memory_space<any>>) target(%arg10 : memref<2048x128xf32, #tpu.memory_space<vmem>>) target_semaphore(%arg18 : memref<!tpu.dma_semaphore, #tpu.memory_space<semaphore_mem>>)
    %broadcast_in_dim3A = arith.constant 0.000000e+00 : f32
    %broadcast_in_dim3A_23 = vector.broadcast %broadcast_in_dim3A : f32 to vector<1x128xf32>
    %scan3A = arith.constant 0 : i32
    %scan3A_24 = arith.constant 11 : i32
    %scan3A_25 = arith.addi %scan3A, %scan3A_24 : i32
    %scan3A_26 = arith.constant 1 : i32
    %scan3A_27:3 = scf.for %scan3A_53 = %scan3A to %scan3A_25 step %scan3A_26 iter_args(%scan3A_54 = %broadcast_in_dim3A_23, %scan3A_55 = %broadcast_in_dim3A_23, %scan3A_56 = %broadcast_in_dim3A_23) -> (vector<1x128xf32>, vector<1x128xf32>, vector<1x128xf32>)  : i32 {
      %mul3A = arith.constant 4 : i32
      %mul3A_57 = arith.muli %scan3A_53, %mul3A : i32
      %add3A = arith.constant 0 : i32
      %add3A_58 = arith.addi %mul3A_57, %add3A : i32
      %mul3A_59 = arith.constant 2048 : i32
      %mul3A_60 = arith.muli %add3A_58, %mul3A_59 : i32
      %add3A_61 = arith.constant 40960 : i32
      %add3A_62 = arith.addi %add3A_61, %mul3A_60 : i32
      %dma_wait3A = arith.constant 0 : i32
      %dma_wait3A_63 = tpu.memref_slice %arg0[%add3A_62, %dma_wait3A] : memref<131072x128xf32, #tpu.memory_space<any>> -> memref<2048x128xf32, #tpu.memory_space<any>>
      tpu.wait_dma2 semaphore(%arg11 : memref<!tpu.dma_semaphore, #tpu.memory_space<semaphore_mem>>) src(%dma_wait3A_63 : memref<2048x128xf32, #tpu.memory_space<any>>) dst(%arg3 : memref<2048x128xf32, #tpu.memory_space<vmem>>)
      %dma_wait3A_64 = arith.constant 0 : i32
      %dma_wait3A_65 = tpu.memref_slice %arg1[%add3A_62, %dma_wait3A_64] : memref<131072x128xf32, #tpu.memory_space<any>> -> memref<2048x128xf32, #tpu.memory_space<any>>
      tpu.wait_dma2 semaphore(%arg15 : memref<!tpu.dma_semaphore, #tpu.memory_space<semaphore_mem>>) src(%dma_wait3A_65 : memref<2048x128xf32, #tpu.memory_space<any>>) dst(%arg7 : memref<2048x128xf32, #tpu.memory_space<vmem>>)
      %get3A = arith.constant 0 : index
      %get3A_66 = arith.constant 0 : index
      %get3A_67 = vector.load %arg7[%get3A, %get3A_66] : memref<2048x128xf32, #tpu.memory_space<vmem>>, vector<2048x128xf32>
      %get3A_68 = arith.constant 0 : index
      %get3A_69 = arith.constant 0 : index
      %get3A_70 = vector.load %arg3[%get3A_68, %get3A_69] : memref<2048x128xf32, #tpu.memory_space<vmem>>, vector<2048x128xf32>
      %sub3A = arith.subf %get3A_67, %get3A_70 : vector<2048x128xf32>
      %gt3A = arith.constant 2.000000e-01 : f32
      %gt3A_71 = vector.broadcast %gt3A : f32 to vector<2048x128xf32>
      %gt3A_72 = arith.cmpf ogt, %get3A_67, %gt3A_71 : vector<2048x128xf32>
      %abs3A = math.absf %sub3A : vector<2048x128xf32>
      %div3A = arith.divf %abs3A, %get3A_67 : vector<2048x128xf32>
      %jit3A = arith.constant 0.000000e+00 : f32
      %broadcast_in_dim3A_73 = vector.broadcast %jit3A : f32 to vector<2048x128xf32>
      %select_n3A = arith.select %gt3A_72, %div3A, %broadcast_in_dim3A_73 : vector<2048x128xi1>, vector<2048x128xf32>
      %jit3A_74 = arith.constant 1.000000e+00 : f32
      %jit3A_75 = arith.constant 0.000000e+00 : f32
      %broadcast_in_dim3A_76 = vector.broadcast %jit3A_74 : f32 to vector<2048x128xf32>
      %broadcast_in_dim3A_77 = vector.broadcast %jit3A_75 : f32 to vector<2048x128xf32>
      %select_n3A_78 = arith.select %gt3A_72, %broadcast_in_dim3A_76, %broadcast_in_dim3A_77 : vector<2048x128xi1>, vector<2048x128xf32>
      %mul3A_79 = arith.mulf %sub3A, %sub3A : vector<2048x128xf32>
      %reduce_sum3A_80 = arith.constant dense<0.000000e+00> : vector<128xf32>
      %reduce_sum3A_81 = vector.multi_reduction <add>, %select_n3A, %reduce_sum3A_80 [0] : vector<2048x128xf32> to vector<128xf32>
      %broadcast_in_dim3A_82 = vector.shape_cast %reduce_sum3A_81 : vector<128xf32> to vector<1x128xf32>
      %add3A_83 = arith.addf %scan3A_54, %broadcast_in_dim3A_82 : vector<1x128xf32>
      %reduce_sum3A_84 = arith.constant dense<0.000000e+00> : vector<128xf32>
      %reduce_sum3A_85 = vector.multi_reduction <add>, %select_n3A_78, %reduce_sum3A_84 [0] : vector<2048x128xf32> to vector<128xf32>
      %broadcast_in_dim3A_86 = vector.shape_cast %reduce_sum3A_85 : vector<128xf32> to vector<1x128xf32>
      %add3A_87 = arith.addf %scan3A_55, %broadcast_in_dim3A_86 : vector<1x128xf32>
      %reduce_sum3A_88 = arith.constant dense<0.000000e+00> : vector<128xf32>
      %reduce_sum3A_89 = vector.multi_reduction <add>, %mul3A_79, %reduce_sum3A_88 [0] : vector<2048x128xf32> to vector<128xf32>
      %broadcast_in_dim3A_90 = vector.shape_cast %reduce_sum3A_89 : vector<128xf32> to vector<1x128xf32>
      %add3A_91 = arith.addf %scan3A_56, %broadcast_in_dim3A_90 : vector<1x128xf32>
      %lt3A = arith.constant 10 : i32
      %lt3A_92 = arith.cmpi slt, %scan3A_53, %lt3A : i32
      %convert_element_type3A = arith.extui %lt3A_92 : i1 to i32
      %cond3A = arith.constant 0 : i32
      %cond3A_93 = arith.cmpi ne, %convert_element_type3A, %cond3A : i32
      scf.if %cond3A_93 {
        %add3A_244 = arith.constant 8192 : i32
        %add3A_245 = arith.addi %add3A_62, %add3A_244 : i32
        %dma_start3A_246 = arith.constant 0 : i32
        %dma_start3A_247 = tpu.memref_slice %arg0[%add3A_245, %dma_start3A_246] : memref<131072x128xf32, #tpu.memory_space<any>> -> memref<2048x128xf32, #tpu.memory_space<any>>
        tpu.enqueue_dma source(%dma_start3A_247 : memref<2048x128xf32, #tpu.memory_space<any>>) target(%arg3 : memref<2048x128xf32, #tpu.memory_space<vmem>>) target_semaphore(%arg11 : memref<!tpu.dma_semaphore, #tpu.memory_space<semaphore_mem>>)
        %dma_start3A_248 = arith.constant 0 : i32
        %dma_start3A_249 = tpu.memref_slice %arg1[%add3A_245, %dma_start3A_248] : memref<131072x128xf32, #tpu.memory_space<any>> -> memref<2048x128xf32, #tpu.memory_space<any>>
        tpu.enqueue_dma source(%dma_start3A_249 : memref<2048x128xf32, #tpu.memory_space<any>>) target(%arg7 : memref<2048x128xf32, #tpu.memory_space<vmem>>) target_semaphore(%arg15 : memref<!tpu.dma_semaphore, #tpu.memory_space<semaphore_mem>>)
      } else {
      }
      %mul3A_94 = arith.constant 4 : i32
      %mul3A_95 = arith.muli %scan3A_53, %mul3A_94 : i32
      %add3A_96 = arith.constant 1 : i32
      %add3A_97 = arith.addi %mul3A_95, %add3A_96 : i32
      %mul3A_98 = arith.constant 2048 : i32
      %mul3A_99 = arith.muli %add3A_97, %mul3A_98 : i32
      %add3A_100 = arith.constant 40960 : i32
      %add3A_101 = arith.addi %add3A_100, %mul3A_99 : i32
      %dma_wait3A_102 = arith.constant 0 : i32
      %dma_wait3A_103 = tpu.memref_slice %arg0[%add3A_101, %dma_wait3A_102] : memref<131072x128xf32, #tpu.memory_space<any>> -> memref<2048x128xf32, #tpu.memory_space<any>>
      tpu.wait_dma2 semaphore(%arg12 : memref<!tpu.dma_semaphore, #tpu.memory_space<semaphore_mem>>) src(%dma_wait3A_103 : memref<2048x128xf32, #tpu.memory_space<any>>) dst(%arg4 : memref<2048x128xf32, #tpu.memory_space<vmem>>)
      %dma_wait3A_104 = arith.constant 0 : i32
      %dma_wait3A_105 = tpu.memref_slice %arg1[%add3A_101, %dma_wait3A_104] : memref<131072x128xf32, #tpu.memory_space<any>> -> memref<2048x128xf32, #tpu.memory_space<any>>
      tpu.wait_dma2 semaphore(%arg16 : memref<!tpu.dma_semaphore, #tpu.memory_space<semaphore_mem>>) src(%dma_wait3A_105 : memref<2048x128xf32, #tpu.memory_space<any>>) dst(%arg8 : memref<2048x128xf32, #tpu.memory_space<vmem>>)
      %get3A_106 = arith.constant 0 : index
      %get3A_107 = arith.constant 0 : index
      %get3A_108 = vector.load %arg8[%get3A_106, %get3A_107] : memref<2048x128xf32, #tpu.memory_space<vmem>>, vector<2048x128xf32>
      %get3A_109 = arith.constant 0 : index
      %get3A_110 = arith.constant 0 : index
      %get3A_111 = vector.load %arg4[%get3A_109, %get3A_110] : memref<2048x128xf32, #tpu.memory_space<vmem>>, vector<2048x128xf32>
      %sub3A_112 = arith.subf %get3A_108, %get3A_111 : vector<2048x128xf32>
      %gt3A_113 = arith.constant 2.000000e-01 : f32
      %gt3A_114 = vector.broadcast %gt3A_113 : f32 to vector<2048x128xf32>
      %gt3A_115 = arith.cmpf ogt, %get3A_108, %gt3A_114 : vector<2048x128xf32>
      %abs3A_116 = math.absf %sub3A_112 : vector<2048x128xf32>
      %div3A_117 = arith.divf %abs3A_116, %get3A_108 : vector<2048x128xf32>
      %jit3A_118 = arith.constant 0.000000e+00 : f32
      %broadcast_in_dim3A_119 = vector.broadcast %jit3A_118 : f32 to vector<2048x128xf32>
      %select_n3A_120 = arith.select %gt3A_115, %div3A_117, %broadcast_in_dim3A_119 : vector<2048x128xi1>, vector<2048x128xf32>
      %jit3A_121 = arith.constant 1.000000e+00 : f32
      %jit3A_122 = arith.constant 0.000000e+00 : f32
      %broadcast_in_dim3A_123 = vector.broadcast %jit3A_121 : f32 to vector<2048x128xf32>
      %broadcast_in_dim3A_124 = vector.broadcast %jit3A_122 : f32 to vector<2048x128xf32>
      %select_n3A_125 = arith.select %gt3A_115, %broadcast_in_dim3A_123, %broadcast_in_dim3A_124 : vector<2048x128xi1>, vector<2048x128xf32>
      %mul3A_126 = arith.mulf %sub3A_112, %sub3A_112 : vector<2048x128xf32>
      %reduce_sum3A_127 = arith.constant dense<0.000000e+00> : vector<128xf32>
      %reduce_sum3A_128 = vector.multi_reduction <add>, %select_n3A_120, %reduce_sum3A_127 [0] : vector<2048x128xf32> to vector<128xf32>
      %broadcast_in_dim3A_129 = vector.shape_cast %reduce_sum3A_128 : vector<128xf32> to vector<1x128xf32>
      %add3A_130 = arith.addf %add3A_83, %broadcast_in_dim3A_129 : vector<1x128xf32>
      %reduce_sum3A_131 = arith.constant dense<0.000000e+00> : vector<128xf32>
      %reduce_sum3A_132 = vector.multi_reduction <add>, %select_n3A_125, %reduce_sum3A_131 [0] : vector<2048x128xf32> to vector<128xf32>
      %broadcast_in_dim3A_133 = vector.shape_cast %reduce_sum3A_132 : vector<128xf32> to vector<1x128xf32>
      %add3A_134 = arith.addf %add3A_87, %broadcast_in_dim3A_133 : vector<1x128xf32>
      %reduce_sum3A_135 = arith.constant dense<0.000000e+00> : vector<128xf32>
      %reduce_sum3A_136 = vector.multi_reduction <add>, %mul3A_126, %reduce_sum3A_135 [0] : vector<2048x128xf32> to vector<128xf32>
      %broadcast_in_dim3A_137 = vector.shape_cast %reduce_sum3A_136 : vector<128xf32> to vector<1x128xf32>
      %add3A_138 = arith.addf %add3A_91, %broadcast_in_dim3A_137 : vector<1x128xf32>
      %lt3A_139 = arith.constant 10 : i32
      %lt3A_140 = arith.cmpi slt, %scan3A_53, %lt3A_139 : i32
      %convert_element_type3A_141 = arith.extui %lt3A_140 : i1 to i32
      %cond3A_142 = arith.constant 0 : i32
      %cond3A_143 = arith.cmpi ne, %convert_element_type3A_141, %cond3A_142 : i32
      scf.if %cond3A_143 {
        %add3A_244 = arith.constant 8192 : i32
        %add3A_245 = arith.addi %add3A_101, %add3A_244 : i32
        %dma_start3A_246 = arith.constant 0 : i32
        %dma_start3A_247 = tpu.memref_slice %arg0[%add3A_245, %dma_start3A_246] : memref<131072x128xf32, #tpu.memory_space<any>> -> memref<2048x128xf32, #tpu.memory_space<any>>
        tpu.enqueue_dma source(%dma_start3A_247 : memref<2048x128xf32, #tpu.memory_space<any>>) target(%arg4 : memref<2048x128xf32, #tpu.memory_space<vmem>>) target_semaphore(%arg12 : memref<!tpu.dma_semaphore, #tpu.memory_space<semaphore_mem>>)
        %dma_start3A_248 = arith.constant 0 : i32
        %dma_start3A_249 = tpu.memref_slice %arg1[%add3A_245, %dma_start3A_248] : memref<131072x128xf32, #tpu.memory_space<any>> -> memref<2048x128xf32, #tpu.memory_space<any>>
        tpu.enqueue_dma source(%dma_start3A_249 : memref<2048x128xf32, #tpu.memory_space<any>>) target(%arg8 : memref<2048x128xf32, #tpu.memory_space<vmem>>) target_semaphore(%arg16 : memref<!tpu.dma_semaphore, #tpu.memory_space<semaphore_mem>>)
      } else {
      }
      %mul3A_144 = arith.constant 4 : i32
      %mul3A_145 = arith.muli %scan3A_53, %mul3A_144 : i32
      %add3A_146 = arith.constant 2 : i32
      %add3A_147 = arith.addi %mul3A_145, %add3A_146 : i32
      %mul3A_148 = arith.constant 2048 : i32
      %mul3A_149 = arith.muli %add3A_147, %mul3A_148 : i32
      %add3A_150 = arith.constant 40960 : i32
      %add3A_151 = arith.addi %add3A_150, %mul3A_149 : i32
      %dma_wait3A_152 = arith.constant 0 : i32
      %dma_wait3A_153 = tpu.memref_slice %arg0[%add3A_151, %dma_wait3A_152] : memref<131072x128xf32, #tpu.memory_space<any>> -> memref<2048x128xf32, #tpu.memory_space<any>>
      tpu.wait_dma2 semaphore(%arg13 : memref<!tpu.dma_semaphore, #tpu.memory_space<semaphore_mem>>) src(%dma_wait3A_153 : memref<2048x128xf32, #tpu.memory_space<any>>) dst(%arg5 : memref<2048x128xf32, #tpu.memory_space<vmem>>)
      %dma_wait3A_154 = arith.constant 0 : i32
      %dma_wait3A_155 = tpu.memref_slice %arg1[%add3A_151, %dma_wait3A_154] : memref<131072x128xf32, #tpu.memory_space<any>> -> memref<2048x128xf32, #tpu.memory_space<any>>
      tpu.wait_dma2 semaphore(%arg17 : memref<!tpu.dma_semaphore, #tpu.memory_space<semaphore_mem>>) src(%dma_wait3A_155 : memref<2048x128xf32, #tpu.memory_space<any>>) dst(%arg9 : memref<2048x128xf32, #tpu.memory_space<vmem>>)
      %get3A_156 = arith.constant 0 : index
      %get3A_157 = arith.constant 0 : index
      %get3A_158 = vector.load %arg9[%get3A_156, %get3A_157] : memref<2048x128xf32, #tpu.memory_space<vmem>>, vector<2048x128xf32>
      %get3A_159 = arith.constant 0 : index
      %get3A_160 = arith.constant 0 : index
      %get3A_161 = vector.load %arg5[%get3A_159, %get3A_160] : memref<2048x128xf32, #tpu.memory_space<vmem>>, vector<2048x128xf32>
      %sub3A_162 = arith.subf %get3A_158, %get3A_161 : vector<2048x128xf32>
      %gt3A_163 = arith.constant 2.000000e-01 : f32
      %gt3A_164 = vector.broadcast %gt3A_163 : f32 to vector<2048x128xf32>
      %gt3A_165 = arith.cmpf ogt, %get3A_158, %gt3A_164 : vector<2048x128xf32>
      %abs3A_166 = math.absf %sub3A_162 : vector<2048x128xf32>
      %div3A_167 = arith.divf %abs3A_166, %get3A_158 : vector<2048x128xf32>
      %jit3A_168 = arith.constant 0.000000e+00 : f32
      %broadcast_in_dim3A_169 = vector.broadcast %jit3A_168 : f32 to vector<2048x128xf32>
      %select_n3A_170 = arith.select %gt3A_165, %div3A_167, %broadcast_in_dim3A_169 : vector<2048x128xi1>, vector<2048x128xf32>
      %jit3A_171 = arith.constant 1.000000e+00 : f32
      %jit3A_172 = arith.constant 0.000000e+00 : f32
      %broadcast_in_dim3A_173 = vector.broadcast %jit3A_171 : f32 to vector<2048x128xf32>
      %broadcast_in_dim3A_174 = vector.broadcast %jit3A_172 : f32 to vector<2048x128xf32>
      %select_n3A_175 = arith.select %gt3A_165, %broadcast_in_dim3A_173, %broadcast_in_dim3A_174 : vector<2048x128xi1>, vector<2048x128xf32>
      %mul3A_176 = arith.mulf %sub3A_162, %sub3A_162 : vector<2048x128xf32>
      %reduce_sum3A_177 = arith.constant dense<0.000000e+00> : vector<128xf32>
      %reduce_sum3A_178 = vector.multi_reduction <add>, %select_n3A_170, %reduce_sum3A_177 [0] : vector<2048x128xf32> to vector<128xf32>
      %broadcast_in_dim3A_179 = vector.shape_cast %reduce_sum3A_178 : vector<128xf32> to vector<1x128xf32>
      %add3A_180 = arith.addf %add3A_130, %broadcast_in_dim3A_179 : vector<1x128xf32>
      %reduce_sum3A_181 = arith.constant dense<0.000000e+00> : vector<128xf32>
      %reduce_sum3A_182 = vector.multi_reduction <add>, %select_n3A_175, %reduce_sum3A_181 [0] : vector<2048x128xf32> to vector<128xf32>
      %broadcast_in_dim3A_183 = vector.shape_cast %reduce_sum3A_182 : vector<128xf32> to vector<1x128xf32>
      %add3A_184 = arith.addf %add3A_134, %broadcast_in_dim3A_183 : vector<1x128xf32>
      %reduce_sum3A_185 = arith.constant dense<0.000000e+00> : vector<128xf32>
      %reduce_sum3A_186 = vector.multi_reduction <add>, %mul3A_176, %reduce_sum3A_185 [0] : vector<2048x128xf32> to vector<128xf32>
      %broadcast_in_dim3A_187 = vector.shape_cast %reduce_sum3A_186 : vector<128xf32> to vector<1x128xf32>
      %add3A_188 = arith.addf %add3A_138, %broadcast_in_dim3A_187 : vector<1x128xf32>
      %lt3A_189 = arith.constant 10 : i32
      %lt3A_190 = arith.cmpi slt, %scan3A_53, %lt3A_189 : i32
      %convert_element_type3A_191 = arith.extui %lt3A_190 : i1 to i32
      %cond3A_192 = arith.constant 0 : i32
      %cond3A_193 = arith.cmpi ne, %convert_element_type3A_191, %cond3A_192 : i32
      scf.if %cond3A_193 {
        %add3A_244 = arith.constant 8192 : i32
        %add3A_245 = arith.addi %add3A_151, %add3A_244 : i32
        %dma_start3A_246 = arith.constant 0 : i32
        %dma_start3A_247 = tpu.memref_slice %arg0[%add3A_245, %dma_start3A_246] : memref<131072x128xf32, #tpu.memory_space<any>> -> memref<2048x128xf32, #tpu.memory_space<any>>
        tpu.enqueue_dma source(%dma_start3A_247 : memref<2048x128xf32, #tpu.memory_space<any>>) target(%arg5 : memref<2048x128xf32, #tpu.memory_space<vmem>>) target_semaphore(%arg13 : memref<!tpu.dma_semaphore, #tpu.memory_space<semaphore_mem>>)
        %dma_start3A_248 = arith.constant 0 : i32
        %dma_start3A_249 = tpu.memref_slice %arg1[%add3A_245, %dma_start3A_248] : memref<131072x128xf32, #tpu.memory_space<any>> -> memref<2048x128xf32, #tpu.memory_space<any>>
        tpu.enqueue_dma source(%dma_start3A_249 : memref<2048x128xf32, #tpu.memory_space<any>>) target(%arg9 : memref<2048x128xf32, #tpu.memory_space<vmem>>) target_semaphore(%arg17 : memref<!tpu.dma_semaphore, #tpu.memory_space<semaphore_mem>>)
      } else {
      }
      %mul3A_194 = arith.constant 4 : i32
      %mul3A_195 = arith.muli %scan3A_53, %mul3A_194 : i32
      %add3A_196 = arith.constant 3 : i32
      %add3A_197 = arith.addi %mul3A_195, %add3A_196 : i32
      %mul3A_198 = arith.constant 2048 : i32
      %mul3A_199 = arith.muli %add3A_197, %mul3A_198 : i32
      %add3A_200 = arith.constant 40960 : i32
      %add3A_201 = arith.addi %add3A_200, %mul3A_199 : i32
      %dma_wait3A_202 = arith.constant 0 : i32
      %dma_wait3A_203 = tpu.memref_slice %arg0[%add3A_201, %dma_wait3A_202] : memref<131072x128xf32, #tpu.memory_space<any>> -> memref<2048x128xf32, #tpu.memory_space<any>>
      tpu.wait_dma2 semaphore(%arg14 : memref<!tpu.dma_semaphore, #tpu.memory_space<semaphore_mem>>) src(%dma_wait3A_203 : memref<2048x128xf32, #tpu.memory_space<any>>) dst(%arg6 : memref<2048x128xf32, #tpu.memory_space<vmem>>)
      %dma_wait3A_204 = arith.constant 0 : i32
      %dma_wait3A_205 = tpu.memref_slice %arg1[%add3A_201, %dma_wait3A_204] : memref<131072x128xf32, #tpu.memory_space<any>> -> memref<2048x128xf32, #tpu.memory_space<any>>
      tpu.wait_dma2 semaphore(%arg18 : memref<!tpu.dma_semaphore, #tpu.memory_space<semaphore_mem>>) src(%dma_wait3A_205 : memref<2048x128xf32, #tpu.memory_space<any>>) dst(%arg10 : memref<2048x128xf32, #tpu.memory_space<vmem>>)
      %get3A_206 = arith.constant 0 : index
      %get3A_207 = arith.constant 0 : index
      %get3A_208 = vector.load %arg10[%get3A_206, %get3A_207] : memref<2048x128xf32, #tpu.memory_space<vmem>>, vector<2048x128xf32>
      %get3A_209 = arith.constant 0 : index
      %get3A_210 = arith.constant 0 : index
      %get3A_211 = vector.load %arg6[%get3A_209, %get3A_210] : memref<2048x128xf32, #tpu.memory_space<vmem>>, vector<2048x128xf32>
      %sub3A_212 = arith.subf %get3A_208, %get3A_211 : vector<2048x128xf32>
      %gt3A_213 = arith.constant 2.000000e-01 : f32
      %gt3A_214 = vector.broadcast %gt3A_213 : f32 to vector<2048x128xf32>
      %gt3A_215 = arith.cmpf ogt, %get3A_208, %gt3A_214 : vector<2048x128xf32>
      %abs3A_216 = math.absf %sub3A_212 : vector<2048x128xf32>
      %div3A_217 = arith.divf %abs3A_216, %get3A_208 : vector<2048x128xf32>
      %jit3A_218 = arith.constant 0.000000e+00 : f32
      %broadcast_in_dim3A_219 = vector.broadcast %jit3A_218 : f32 to vector<2048x128xf32>
      %select_n3A_220 = arith.select %gt3A_215, %div3A_217, %broadcast_in_dim3A_219 : vector<2048x128xi1>, vector<2048x128xf32>
      %jit3A_221 = arith.constant 1.000000e+00 : f32
      %jit3A_222 = arith.constant 0.000000e+00 : f32
      %broadcast_in_dim3A_223 = vector.broadcast %jit3A_221 : f32 to vector<2048x128xf32>
      %broadcast_in_dim3A_224 = vector.broadcast %jit3A_222 : f32 to vector<2048x128xf32>
      %select_n3A_225 = arith.select %gt3A_215, %broadcast_in_dim3A_223, %broadcast_in_dim3A_224 : vector<2048x128xi1>, vector<2048x128xf32>
      %mul3A_226 = arith.mulf %sub3A_212, %sub3A_212 : vector<2048x128xf32>
      %reduce_sum3A_227 = arith.constant dense<0.000000e+00> : vector<128xf32>
      %reduce_sum3A_228 = vector.multi_reduction <add>, %select_n3A_220, %reduce_sum3A_227 [0] : vector<2048x128xf32> to vector<128xf32>
      %broadcast_in_dim3A_229 = vector.shape_cast %reduce_sum3A_228 : vector<128xf32> to vector<1x128xf32>
      %add3A_230 = arith.addf %add3A_180, %broadcast_in_dim3A_229 : vector<1x128xf32>
      %reduce_sum3A_231 = arith.constant dense<0.000000e+00> : vector<128xf32>
      %reduce_sum3A_232 = vector.multi_reduction <add>, %select_n3A_225, %reduce_sum3A_231 [0] : vector<2048x128xf32> to vector<128xf32>
      %broadcast_in_dim3A_233 = vector.shape_cast %reduce_sum3A_232 : vector<128xf32> to vector<1x128xf32>
      %add3A_234 = arith.addf %add3A_184, %broadcast_in_dim3A_233 : vector<1x128xf32>
      %reduce_sum3A_235 = arith.constant dense<0.000000e+00> : vector<128xf32>
      %reduce_sum3A_236 = vector.multi_reduction <add>, %mul3A_226, %reduce_sum3A_235 [0] : vector<2048x128xf32> to vector<128xf32>
      %broadcast_in_dim3A_237 = vector.shape_cast %reduce_sum3A_236 : vector<128xf32> to vector<1x128xf32>
      %add3A_238 = arith.addf %add3A_188, %broadcast_in_dim3A_237 : vector<1x128xf32>
      %lt3A_239 = arith.constant 10 : i32
      %lt3A_240 = arith.cmpi slt, %scan3A_53, %lt3A_239 : i32
      %convert_element_type3A_241 = arith.extui %lt3A_240 : i1 to i32
      %cond3A_242 = arith.constant 0 : i32
      %cond3A_243 = arith.cmpi ne, %convert_element_type3A_241, %cond3A_242 : i32
      scf.if %cond3A_243 {
        %add3A_244 = arith.constant 8192 : i32
        %add3A_245 = arith.addi %add3A_201, %add3A_244 : i32
        %dma_start3A_246 = arith.constant 0 : i32
        %dma_start3A_247 = tpu.memref_slice %arg0[%add3A_245, %dma_start3A_246] : memref<131072x128xf32, #tpu.memory_space<any>> -> memref<2048x128xf32, #tpu.memory_space<any>>
        tpu.enqueue_dma source(%dma_start3A_247 : memref<2048x128xf32, #tpu.memory_space<any>>) target(%arg6 : memref<2048x128xf32, #tpu.memory_space<vmem>>) target_semaphore(%arg14 : memref<!tpu.dma_semaphore, #tpu.memory_space<semaphore_mem>>)
        %dma_start3A_248 = arith.constant 0 : i32
        %dma_start3A_249 = tpu.memref_slice %arg1[%add3A_245, %dma_start3A_248] : memref<131072x128xf32, #tpu.memory_space<any>> -> memref<2048x128xf32, #tpu.memory_space<any>>
        tpu.enqueue_dma source(%dma_start3A_249 : memref<2048x128xf32, #tpu.memory_space<any>>) target(%arg10 : memref<2048x128xf32, #tpu.memory_space<vmem>>) target_semaphore(%arg18 : memref<!tpu.dma_semaphore, #tpu.memory_space<semaphore_mem>>)
      } else {
      }
      scf.yield %add3A_230, %add3A_234, %add3A_238 : vector<1x128xf32>, vector<1x128xf32>, vector<1x128xf32>
    }
    %scan3A_28 = arith.constant 11 : i32
    %squeeze3A = vector.shape_cast %scan3A_27#0 : vector<1x128xf32> to vector<128xf32>
    %reduce_sum3A = vector.shape_cast %squeeze3A : vector<128xf32> to vector<1x128xf32>
    %reduce_sum3A_29 = arith.constant dense<0.000000e+00> : vector<1xf32>
    %reduce_sum3A_30 = vector.multi_reduction <add>, %reduce_sum3A, %reduce_sum3A_29 [1] : vector<1x128xf32> to vector<1xf32>
    %reduce_sum3A_31 = vector.shape_cast %reduce_sum3A_30 : vector<1xf32> to vector<1x1xf32>
    %reduce_sum3A_32 = vector.extract %reduce_sum3A_31[0, 0] : f32 from vector<1x1xf32>
    %swap3A = arith.constant 0 : index
    %swap3A_33 = arith.constant 0 : index
    %swap3A_34 = memref.load %arg2[%swap3A, %swap3A_33] : memref<1x3xf32, #tpu.memory_space<smem>>
    memref.store %reduce_sum3A_32, %arg2[%swap3A, %swap3A_33] : memref<1x3xf32, #tpu.memory_space<smem>>
    %squeeze3A_35 = vector.shape_cast %scan3A_27#1 : vector<1x128xf32> to vector<128xf32>
    %reduce_sum3A_36 = vector.shape_cast %squeeze3A_35 : vector<128xf32> to vector<1x128xf32>
    %reduce_sum3A_37 = arith.constant dense<0.000000e+00> : vector<1xf32>
    %reduce_sum3A_38 = vector.multi_reduction <add>, %reduce_sum3A_36, %reduce_sum3A_37 [1] : vector<1x128xf32> to vector<1xf32>
    %reduce_sum3A_39 = vector.shape_cast %reduce_sum3A_38 : vector<1xf32> to vector<1x1xf32>
    %reduce_sum3A_40 = vector.extract %reduce_sum3A_39[0, 0] : f32 from vector<1x1xf32>
    %swap3A_41 = arith.constant 0 : index
    %swap3A_42 = arith.constant 1 : index
    %swap3A_43 = memref.load %arg2[%swap3A_41, %swap3A_42] : memref<1x3xf32, #tpu.memory_space<smem>>
    memref.store %reduce_sum3A_40, %arg2[%swap3A_41, %swap3A_42] : memref<1x3xf32, #tpu.memory_space<smem>>
    %squeeze3A_44 = vector.shape_cast %scan3A_27#2 : vector<1x128xf32> to vector<128xf32>
    %reduce_sum3A_45 = vector.shape_cast %squeeze3A_44 : vector<128xf32> to vector<1x128xf32>
    %reduce_sum3A_46 = arith.constant dense<0.000000e+00> : vector<1xf32>
    %reduce_sum3A_47 = vector.multi_reduction <add>, %reduce_sum3A_45, %reduce_sum3A_46 [1] : vector<1x128xf32> to vector<1xf32>
    %reduce_sum3A_48 = vector.shape_cast %reduce_sum3A_47 : vector<1xf32> to vector<1x1xf32>
    %reduce_sum3A_49 = vector.extract %reduce_sum3A_48[0, 0] : f32 from vector<1x1xf32>
    %swap3A_50 = arith.constant 0 : index
    %swap3A_51 = arith.constant 2 : index
    %swap3A_52 = memref.load %arg2[%swap3A_50, %swap3A_51] : memref<1x3xf32, #tpu.memory_space<smem>>
    memref.store %reduce_sum3A_49, %arg2[%swap3A_50, %swap3A_51] : memref<1x3xf32, #tpu.memory_space<smem>>
    return
  }
}

</mosaic_0001>

<sc_bundles>
// kernel: kernel.4.cloned.1.call-start
scs
__scs_entry_jumppad:
0x0: {  	(pc) =	sbr.rel $0x88, $3  }
0x1: {  	(tag) =	ssettag $0x0;
	lr =	simm.s32 $0x1  }
0x2: {  	[smem:$0x3F9F] =	sst lr;
	_ =	strace $0xD0000000  }
0x3: {  	_ = 	snop  }
0x4: {  	_ = 	snop  }
0x5: {  	_ = 	snop  }
0x6: {  	_ = 	snop  }
0x7: {  	_ = 	snop  }
__scs_overlays_trampoline_lowered:
0x8: {  	[smem:$0x3FAE] =	sst s0  }
0x9: {  	[smem:$0x3FAF] =	sst s1  }
0xa: {  	[smem:$0x3FB0] =	sst s2  }
0xb: {  	[smem:$0x3FB1] =	sst s3  }
0xc: {  	[smem:$0x3FB2] =	sst s4  }
0xd: {  	[smem:$0x3FB3] =	sst s5  }
0xe: {  	[smem:$0x3FB4] =	sst s6  }
0xf: {  	[smem:$0x3FB5] =	sst s7  }
0x10: {  	[smem:$0x3FB6] =	sst s8  }
0x11: {  	[smem:$0x3FB7] =	sst s9;
	s0 =	simm.s32 @!p0 $0x0  }
0x12: {  	s1 =	sld [smem:$0x3F9D];
	s0 =	simm.s32 @p0 $0x1  }
0x13: {  	[smem:$0x3FB8] =	sst s0;
	s0 =	simm.s32 @!p1 $0x0  }
0x14: {  	s2 =	sld [smem:$0x3F9C];
	s0 =	simm.s32 @p1 $0x1  }
0x15: {  	[smem:$0x3FB9] =	sst s0;
	s0 =	simm.s32 @!p2 $0x0  }
0x16: {  	s3 =	sld [smem:$0x3FDB];
	s0 =	simm.s32 @p2 $0x1  }
0x17: {  	s4 =	simm.s32 $0x1BF5;
	[smem:$0x3FBB] =	sst s0  }
0x18: {  	s0 =	sld [smem:$0x3F9E];
	_ =	swait.ge [sflag:s4], $0x0  }
0x19: {  	s7 =	sld [smem:$0x3F9F]  }
0x1a: {  	s8 =	sadd.s32 $0xFFFFE003, lr  }
0x1b: {  	s9 =	sadd.s32 $0xFFFFFEF7, lr;
	s5 =	simm.s32 $0xFFFFFFFF;
	p2 =	slt.u32 s8, $0xFFFFF086  }
0x1c: {  	p1 =	slt.u32 s9, $0xF7A;
	s5 =	simm.s32 @!p2 $0x0  }
0x1d: {  	s5 =	simm.s32 @p1 $0x1;
	p0 =	seq.s32 s7, s2  }
0x1e: {  	s7 =	smul.u32 @!p0 $0xF7A, s2;
	p2 =	seq.s32 @!p0 s5, $0x0  }
0x1f: {  	s9 =	smul.u32 $0xF7A, s1;
	s8 =	simm.s32 @!p0 $0x1BF5;
	p2 =	por !p2, p0  }
0x20: {  	[sflag:s8] =	ssyncset.s32 @!p0 $0xFFFFF086;
	s6 =	sadd.s32 @!p0 s3, s7;
	s7 =	simm.s32 @!p0 $0x108  }
0x21: {  	s3 =	sadd.s32 s3, s9;
	s6 =	sadd.s32 @!p0 $0x88, s6;
	s7 =	simm.s32 @p2 $0x1082  }
0x22: {  	[simem:s7], [sflag:s8] =	dma.local @!p0 [hbm:s6], $0xF7A  }
0x23: {  	s9 =	sor.u32 $0xD0000000, s2;
	s6 =	simm.s32 $0x108;
	_ =	swait.ge @!p0 [sflag:s8], $0x0  }
0x24: {  	s3 =	sadd.s32 $0x88, s3;
	s6 =	simm.s32 @!p1 $0x1082;
	[sflag:s4] =	ssyncset.s32 $0xFFFFF086  }
0x25: {  	[simem:s6], [sflag:s4] =	dma.local [hbm:s3], $0xF7A  }
0x26: {  	[smem:$0x3F9F] =	sst s1;
	(tag) =	ssettag s2;
	_ =	strace s9  }
0x27: {  	s1 =	sld [smem:$0x3FAF]  }
0x28: {  	s2 =	sld [smem:$0x3FB0]  }
0x29: {  	s4 =	sld [smem:$0x3FB2]  }
0x2a: {  	p0 =	seq.s32 s5, $0x0;
	s5 =	sld [smem:$0x3FB3]  }
0x2b: {  	s6 =	sld [smem:$0x3FB4]  }
0x2c: {  	s7 =	sld [smem:$0x3FB5]  }
0x2d: {  	s3 =	simm.s32 $0x108;
	s8 =	sld [smem:$0x3FB6]  }
0x2e: {  	s3 =	simm.s32 @!p0 $0x1082;
	s9 =	sld [smem:$0x3FB7]  }
0x2f: {  	lr =	sadd.s32 s0, s3;
	s0 =	sld [smem:$0x3FAE]  }
0x30: {  	s3 =	sld [smem:$0x3FB1]  }
0x31: {  	[smem:$0x3FBA] =	sst s10  }
0x32: {  	s10 =	sld [smem:$0x3FB8];
	_ =	sdelay $0x3  }
0x33: {  	p0 =	seq.s32 s10, $0x1;
	s10 =	sld [smem:$0x3FBA];
	_ =	sdelay $0x3  }
0x34: {  	[smem:$0x3FBA] =	sst s10  }
0x35: {  	s10 =	sld [smem:$0x3FB9];
	_ =	sdelay $0x3  }
0x36: {  	p1 =	seq.s32 s10, $0x1;
	s10 =	sld [smem:$0x3FBA];
	_ =	sdelay $0x3  }
0x37: {  	[smem:$0x3FBA] =	sst s10  }
0x38: {  	s10 =	sld [smem:$0x3FBB]  }
0x39: {  	_ = 	snop;
	(pc) =	sbr.ind lr, $3  }
0x3a: {  	_ = 	snop  }
0x3b: {  	_ = 	snop  }
0x3c: {  	p2 =	seq.s32 s10, $0x1;
	s10 =	sld [smem:$0x3FBA]  }
0x3d: {  	_ =	shalt  }
0x3e: {  	_ =	shalt  }
0x3f: {  	_ =	shalt  }
0x40: {  	_ =	shalt  }
0x41: {  	_ =	shalt  }
0x42: {  	_ =	shalt  }
0x43: {  	_ =	shalt  }
0x44: {  	_ =	shalt  }
0x45: {  	_ =	shalt  }
0x46: {  	_ =	shalt  }
0x47: {  	_ =	shalt  }
0x48: {  	_ =	shalt  }
0x49: {  	_ =	shalt  }
0x4a: {  	_ =	shalt  }
0x4b: {  	_ =	shalt  }
0x4c: {  	_ =	shalt  }
0x4d: {  	_ =	shalt  }
0x4e: {  	_ =	shalt  }
0x4f: {  	_ =	shalt  }
0x50: {  	_ =	shalt  }
0x51: {  	_ =	shalt  }
0x52: {  	_ =	shalt  }
0x53: {  	_ =	shalt  }
0x54: {  	_ =	shalt  }
0x55: {  	_ =	shalt  }
0x56: {  	_ =	shalt  }
0x57: {  	_ =	shalt  }
0x58: {  	_ =	shalt  }
0x59: {  	_ =	shalt  }
0x5a: {  	_ =	shalt  }
0x5b: {  	_ =	shalt  }
0x5c: {  	_ =	shalt  }
0x5d: {  	_ =	shalt  }
0x5e: {  	_ =	shalt  }
0x5f: {  	_ =	shalt  }
0x60: {  	_ =	shalt  }
0x61: {  	_ =	shalt  }
0x62: {  	_ =	shalt  }
0x63: {  	_ =	shalt  }
0x64: {  	_ =	shalt  }
0x65: {  	_ =	shalt  }
0x66: {  	_ =	shalt  }
0x67: {  	_ =	shalt  }
0x68: {  	_ =	shalt  }
0x69: {  	_ =	shalt  }
0x6a: {  	_ =	shalt  }
0x6b: {  	_ =	shalt  }
0x6c: {  	_ =	shalt  }
0x6d: {  	_ =	shalt  }
0x6e: {  	_ =	shalt  }
0x6f: {  	_ =	shalt  }
0x70: {  	_ =	shalt  }
0x71: {  	_ =	shalt  }
0x72: {  	_ =	shalt  }
0x73: {  	_ =	shalt  }
0x74: {  	_ =	shalt  }
0x75: {  	_ =	shalt  }
0x76: {  	_ =	shalt  }
0x77: {  	_ =	shalt  }
0x78: {  	_ =	shalt  }
0x79: {  	_ =	shalt  }
0x7a: {  	_ =	shalt  }
0x7b: {  	_ =	shalt  }
0x7c: {  	_ =	shalt  }
0x7d: {  	_ =	shalt  }
0x7e: {  	_ =	shalt  }
0x7f: {  	_ =	shalt  }
0x80: {  	_ =	shalt  }
0x81: {  	_ =	shalt  }
0x82: {  	_ =	shalt  }
0x83: {  	_ =	shalt  }
0x84: {  	_ =	shalt  }
0x85: {  	_ =	shalt  }
0x86: {  	_ =	shalt  }
0x87: {  	_ =	shalt  }
.Lfunc_end0:
.L_simem_size_0:
called_computation_lowered:
.L_overlay_start_0:
0x88: {  	s2 =	sld [smem:$0x3FD9]  }
0x89: {  	s3 =	sld [smem:$0x3FFE];
	_ =	sdelay $0x1  }
0x8a: {  	s1 =	srdreg.scid  }
0x8b: {  	s0 =	sand.u32 $0x1, s1  }
0x8c: {  	s17 =	sshll.u32 s0, $0xA;
	s2 =	sadd.s32 s3, s2  }
0x8d: {  	s2 =	sadd.s32 s2, s17  }
0x8e: {  	[smem:$0x3FC6] =	sst s2  }
0x8f: {  	_ = 	snop  }
0x90: {  	s2 =	sld [smem:$0x3FC9]  }
0x91: {  	s18 =	sld [smem:$0x3FC8];
	(tm) =	ssettm $0x1  }
0x92: {  	s4 =	sld [smem:$0x3FFB];
	_ =	sdelay $0x3  }
0x93: {  	_ =	strace s4  }
0x94: {  	s4 =	sld [smem:$0x3FFC];
	_ =	sdelay $0x3  }
0x95: {  	_ =	strace s4  }
0x96: {  	s4 =	sld [smem:$0x3FFD];
	_ =	sdelay $0x3  }
0x97: {  	_ =	strace s4  }
0x98: {  	_ =	strace $0x8FFFFFFF  }
0x99: {  	s19 =	sld [smem:$0x3FDB];
	_ =	sdelay $0x1  }
0x9a: {  	s5 =	simm.s32 $_scs_section_size  }
0x9b: {  	s6 =	simm.s32 $_size__tile_overlayer_lowered;
	s7 =	simm.s32 $_tile_overlayer_lowered  }
0x9c: {  	s22 =	simm.s32 $0x1BFF;
	s21 =	sshll.u32 s7, $0x1;
	s4 =	sadd.s32 s5, s19  }
0x9d: {  	s8 =	simm.s32 $0x0;
	s20 =	sshll.u32 s6, $0x1;
	s6 =	sadd.s32 s21, s4  }
0x9e: {  	[timem:s8], [sflag:s22] =	dma.local [hbm:s6], s20  }
0x9f: {  	_ =	swait.ge [sflag:s22], s20  }
0xa0: {  	s5 =	ssub.s32 $0x0, s20;
	[sflag:s22] =	ssyncset.done $0x0  }
0xa1: {  	[sflag:s22] =	ssyncadd.s32 s5;
	_ =	sdelay $0x1  }
0xa2: {  	s23 =	simm.s32 $0x1B8B  }
0xa3: {  	_ =	swait.ge [sflag:s23], $0x1  }
0xa4: {  	[sflag:s23] =	ssyncset.done $0x0  }
0xa5: {  	s25 =	simm.s32 $0x1B8E;
	s24 =	sld [smem:$0x3FFE];
	[sflag:s23] =	ssyncadd.s32 $0xFFFFFFFF  }
0xa6: {  	s26 =	simm.s32 $execute0_lowered;
	[smem:$0x3FD2] =	sst s25  }
0xa7: {  	s6 =	sshll.u32 s26, $0x1;
	_ =	strace $0x80000046;
	[dreg:$0x1] =	wrdreg $0xFFFFFFFF  }
0xa8: {  	s28 =	simm.s32 $_size_execute0_lowered;
	s4 =	sadd.s32 s4, s6;
	[dreg:$0x0] =	wrdreg $0x0  }
0xa9: {  	s6 =	sshll.u32 s28, $0x1;
	[dreg:$0x2] =	wrdreg s4  }
0xaa: {  	[dreg:$0x3] =	wrdreg s6  }
0xab: {  	[dreg:$0x4] =	wrdreg $0xC0  }
0xac: {  	_ =	task [dreg:s8], $0x5FFFF  }
0xad: {  	[dreg:$0x1] =	wrdreg $0xFFFFFFFF  }
0xae: {  	[dreg:$0x0] =	wrdreg $0x60  }
0xaf: {  	[dreg:$0x2] =	wrdreg s2  }
0xb0: {  	[dreg:$0x3] =	wrdreg s18  }
0xb1: {  	[dreg:$0x4] =	wrdreg s24  }
0xb2: {  	[dreg:$0x5] =	wrdreg $0x9  }
0xb3: {  	_ =	task.clear_ibuf [dreg:s8], $0x6FFFF;
	_ =	strace $0x90000046  }
0xb4: {  	s29 =	simm.s32 $0x9;
	_ =	strace $0x80000048  }
0xb5: {  	_ =	swait.ge [sflag:s29], $0x1  }
0xb6: {  	[sflag:s29] =	ssyncadd.s32 $0xFFFFFFFF  }
0xb7: {  	_ =	strace $0x90000048  }
0xb8: {  	_ =	sfence  }
0xb9: {  	s30 =	sld [smem:$0x0];
	_ =	sdelay $0x2  }
0xba: {  	s31 =	sshll.u32 s1, $0xD;
	s1 =	sshrl.u32 s1, $0x2  }
0xbb: {  	s3 =	sand.u32 $0x4000, s31;
	s1 =	sadd.s32 s1, s30  }
0xbc: {  	s0 =	sor.u32 s3, s0;
	s1 =	sshll.u32 s1, $0x11  }
0xbd: {  	s0 =	sor.u32 s1, s0  }
0xbe: {  	s0 =	sadd.s32 $0x8F2B, s0  }
0xbf: {  	[sflag:s0] =	ssyncadd.remote.s32 $0x1  }
0xc0: {  	_ =	sfence.sel $0xFFFF  }
0xc1: {  	[dreg:$0x0] =	wrdreg $0xFFFFFFFF;
	(pc) =	sbr.abs _section_cstart, $3  }
0xc2: {  	[dreg:$0x1] =	wrdreg $0xFFFFFFFF  }
0xc3: {  	_ =	task.clear_ibuf [dreg:s8], $0x2FFFF;
	_ =	strace $0x9FFFFFFF  }
0xc4: {  	(tm) =	ssettm $0x7FFFFFFF  }
0xc5: {  	_ =	shalt  }
tec
execute0_lowered:
.L_overlay_start_1:
0x0: {  	(tag) =	ssettag $0x1  }
0x1: {  	s1 =	rddreg [dreg:$0x0]  }
0x2: {  	s3 =	rddreg [dreg:$0x1];
	s2 =	srdreg.scid  }
0x3: {  	s0 =	stileid.u32;
	s10 =	rddreg [dreg:$0x2];
	s13 =	simm.s32 $0x4000  }
0x4: {  	s14 =	simm.s32 $0xC000;
	s15 =	simm.s32 $0x1;
	s16 =	simm.s32 $0x3  }
0x5: {  	s17 =	simm.s32 $0x2;
	s18 =	simm.s32 $0x4;
	s19 =	simm.s32 $0x10000  }
0x6: {  	s20 =	simm.s32 $0x5;
	s5 =	sand.u32 $0x1, s2;
	s4 =	sshll.u32 s0, $0x1  }
0x7: {  	s21 =	simm.s32 $0x0;
	s2 =	rddreg [dreg:$0x3];
	s11 =	sor.u32 s5, s4  }
0x8: {  	s4 =	simm.s32 $0x0;
	s6 =	ssub.s32 $0x2, s5;
	s5 =	smul.u32 $0x28000, s11  }
.Ltmp0:
0x9: {  	[smem:$0x7FF] =	sst s4;
	s7 =	sshrl.u32 s6, $0x1;
	(pc) =	sbr.rel .LBB2_1-.Ltmp0, $4  }
0xa: {  	s11 =	sshll.u32 s11, $0x4;
	_ =	strace $0x80000047;
	s12 =	ssub.s32 s6, s7  }
0xb: {  	s10 =	sadd.s32 s10, s11;
	s8 =	sshrl.u32 s5, $0x3;
	s11 =	smax.u32 s12, $0x1  }
0xc: {  	s12 =	simm.s32 $0x8000;
	s6 =	sadd.s32 s1, s8;
	s9 =	sor.u32 $0x800, s8  }
0xd: {  	v0 =	vimm.f32 $0.0e+00;
	s7 =	sadd.s32 s3, s8;
	s8 =	sadd.s32 s1, s9;
	s9 =	sadd.s32 s3, s9  }
.LBB2_8:
0xe: {  	v18 =	vadd.f32 v21, v18  }
0xf: {  	v23 =	vadd.f32 v23, v24  }
0x10: {  	v17 =	vadd.f32 v17, v22;
	v16 =	vadd.f32 v16, v18  }
0x11: {  	v20 =	vadd.f32 v20, v23  }
0x12: {  	v14 =	vadd.f32 v14, v17;
	v10 =	vadd.f32 v10, v16  }
0x13: {  	v11 =	vadd.f32 v11, v20  }
0x14: {  	v14 =	vadd.f32 v19, v14;
	v5 =	vadd.f32 v5, v10  }
0x15: {  	v9 =	vadd.f32 v9, v11  }
0x16: {  	v8 =	vadd.f32 v8, v14;
	v5 =	vadd.f32 v6, v5  }
0x17: {  	v3 =	vadd.f32 v3, v9  }
0x18: {  	v61 =	vadd.f32 v15, v8;
	v62 =	vadd.f32 v13, v5  }
0x19: {  	v3 =	vadd.f32 v4, v3  }
0x1a: {  	v63 =	vadd.f32 v12, v61;
	v1 =	vadd.f32 v1, v62  }
0x1b: {  	v2 =	vadd.f32 v2, v3  }
0x1c: {  	s21 =	sadd.s32 $0x1, s21;
	v3 =	vadd.f32 v7, v63;
	[tilespmem:$0x10010] =	vst v1  }
0x1d: {  	p0 =	sne.s32 s21, s11;
	[tilespmem:$0x10000] =	vst v2  }
.Ltmp1:
0x1e: {  	[tilespmem:$0x10020] =	vst v3;
	(pc) =	sbr.rel @!p0 .LBB2_9-.Ltmp1, $4  }
0x1f: {  	[hbm4b:s10+s4] =	stream.linear.scatter [tilespmem:s19], [sflag:$0x5], $0x80, $0x38;
	[tilespmem:$0x10080] =	vst v63  }
0x20: {  	_ =	swait.ge [sflag:s20], $0x80  }
0x21: {  	[sflag:s20] =	ssyncset.done $0x0  }
0x22: {  	[sflag:s20] =	ssyncadd.s32 $0xFFFFFF80  }
.LBB2_1:
0x23: {  	v7 =	vimm.f32 $0.0e+00;
	v1 =	vimm.f32 $0.0e+00;
	v2 =	vimm.f32 $0.0e+00  }
0x24: {  	[tilespmem:s4], [sflag:$0x1] =	stream.linear.gather [hbm4b:s6+s4], $0x4000, $0x38;
	v12 =	vimm.f32 $0.0e+00;
	v13 =	vimm.f32 $0.0e+00;
	v4 =	vimm.f32 $0.0e+00;
	[tilespmem:$0x10080] =	vst v63  }
0x25: {  	v15 =	vimm.f32 $0.0e+00;
	v6 =	vimm.f32 $0.0e+00;
	v3 =	vimm.f32 $0.0e+00  }
0x26: {  	v8 =	vimm.f32 $0.0e+00;
	v5 =	vimm.f32 $0.0e+00;
	v9 =	vimm.f32 $0.0e+00;
	[tilespmem:s12], [sflag:$0x3] =	stream.linear.gather [hbm4b:s7+s4], $0x4000, $0x38;
	[tilespmem:$0x10080] =	vst v63  }
0x27: {  	v19 =	vimm.f32 $0.0e+00;
	v10 =	vimm.f32 $0.0e+00;
	v11 =	vimm.f32 $0.0e+00  }
0x28: {  	v14 =	vimm.f32 $0.0e+00;
	v16 =	vimm.f32 $0.0e+00;
	v20 =	vimm.f32 $0.0e+00;
	[tilespmem:s13], [sflag:$0x2] =	stream.linear.gather [hbm4b:s8+s4], $0x4000, $0x38;
	[tilespmem:$0x10080] =	vst v63  }
0x29: {  	v17 =	vimm.f32 $0.0e+00;
	v21 =	vimm.f32 $0.0e+00;
	v23 =	vimm.f32 $0.0e+00;
	s22 =	simm.s32 $0x0  }
0x2a: {  	v22 =	vimm.f32 $0.0e+00;
	v18 =	vimm.f32 $0.0e+00;
	v24 =	vimm.f32 $0.0e+00;
	[tilespmem:s14], [sflag:$0x4] =	stream.linear.gather [hbm4b:s9+s4], $0x4000, $0x38;
	[tilespmem:$0x10080] =	vst v63  }
.LBB2_2:
0x2b: {  	_ =	swait.ge [sflag:s15], $0x4000  }
0x2c: {  	[sflag:s15] =	ssyncset.done $0x0  }
0x2d: {  	[sflag:s15] =	ssyncadd.s32 $0xFFFFC000  }
0x2e: {  	_ =	swait.ge [sflag:s16], $0x4000  }
0x2f: {  	[sflag:s16] =	ssyncset.done $0x0  }
0x30: {  	s23 =	simm.s32 $0x0;
	[sflag:s16] =	ssyncadd.s32 $0xFFFFC000  }
0x31: {  	v31 =	vld [tilespmem:s23+$0x30]  }
0x32: {  	v26 =	vld [tilespmem:s23+$0x60]  }
0x33: {  	v29 =	vld [tilespmem:s23+$0x70]  }
0x34: {  	v27 =	vld [tilespmem:s23+$0x8060]  }
0x35: {  	v32 =	vld [tilespmem:s23+$0x50]  }
0x36: {  	v33 =	vld [tilespmem:s23+$0x8070]  }
0x37: {  	v34 =	vld [tilespmem:s23+$0x8050]  }
0x38: {  	v35 =	vld [tilespmem:s23+$0x8010]  }
0x39: {  	v39 =	vld [tilespmem:s23+$0x8020]  }
0x3a: {  	v28 =	vld [tilespmem:s23+$0x8030]  }
0x3b: {  	v37 =	vld [tilespmem:s23+$0x20]  }
0x3c: {  	v41 =	vld [tilespmem:s23+$0x8040]  }
0x3d: {  	v47 =	vld [tilespmem:s23+$0x40]  }
0x3e: {  	v53 =	vld [tilespmem:s23+$0x8000];
	v40 =	vsub.f32 v27, v26;
	vm0 =	vgt.f32 v27, $2.000000030e-01  }
0x3f: {  	v58 =	vld [tilespmem:s23+$0x0];
	v30 =	vsub.s32 $0x7EF311C3, v27;
	v38 =	vsub.f32 v33, v29;
	v43 =	vsub.s32 $0x7EF311C3, v33  }
0x40: {  	v29 =	vsub.s32 $0x7EF311C3, v34;
	v42 =	vsub.s32 $0x7EF311C3, v35;
	vm2 =	vgt.f32 v33, $2.000000030e-01  }
0x41: {  	v45 =	vsub.s32 $0x7EF311C3, v39;
	v46 =	vsub.f32 v28, v31;
	v31 =	vsub.s32 $0x7EF311C3, v28  }
0x42: {  	v48 =	vsub.f32 v34, v32;
	v50 =	vsub.f32 v39, v37;
	v51 =	vsub.s32 $0x7EF311C3, v41  }
0x43: {  	v25 =	vld [tilespmem:s23+$0x10];
	vm1 =	vgt.f32 v34, $2.000000030e-01;
	vm3 =	vgt.f32 v28, $2.000000030e-01;
	v37 =	vsub.f32 v41, v47  }
0x44: {  	vm4 =	vgt.f32 v35, $2.000000030e-01;
	v47 =	vsub.f32 v53, v58;
	vm5 =	vgt.f32 v39, $2.000000030e-01  }
0x45: {  	vm6 =	vgt.f32 v53, $2.000000030e-01;
	v36 =	vmul.f32 v30, v27;
	v44 =	vmul.f32 v43, v33  }
0x46: {  	v26 =	vsel vm0, $0x3F800000, v0;
	v61 =	vmul.f32 v42, v35;
	v49 =	vmul.f32 v45, v39  }
0x47: {  	v52 =	vmul.f32 v29, v34;
	v57 =	vmul.f32 v51, v41;
	v59 =	vsel vm4, $0x3F800000, v0  }
0x48: {  	v27 =	vand.u32 $0x7FFFFFFF, v40;
	v13 =	vadd.f32 v26, v13;
	v26 =	vsub.f32 v35, v25  }
0x49: {  	v25 =	vsel vm2, $0x3F800000, v0;
	v33 =	vand.u32 $0x7FFFFFFF, v38;
	v38 =	vmul.f32 v38, v38  }
0x4a: {  	v54 =	vand.u32 $0x7FFFFFFF, v50;
	v35 =	vmul.f32 v50, v50;
	v21 =	vadd.f32 v59, v21  }
0x4b: {  	v58 =	vmul.f32 v40, v40;
	v59 =	vmul.f32 v47, v47;
	v47 =	vand.u32 $0x7FFFFFFF, v47  }
0x4c: {  	v62 =	vsub.f32 $2.000000000e+00, v61;
	v63 =	vsub.f32 $2.000000000e+00, v49;
	v61 =	vsub.s32 $0x7EF311C3, v53  }
0x4d: {  	v49 =	vsub.f32 $2.000000000e+00, v57;
	v57 =	vand.u32 $0x7FFFFFFF, v37;
	v40 =	vsub.f32 $2.000000000e+00, v52  }
0x4e: {  	v44 =	vsub.f32 $2.000000000e+00, v44;
	v56 =	vand.u32 $0x7FFFFFFF, v26;
	v7 =	vadd.f32 v38, v7  }
0x4f: {  	v38 =	vsub.f32 $2.000000000e+00, v36;
	v32 =	vmul.f32 v42, v62;
	v62 =	vmul.f32 v61, v53  }
0x50: {  	v36 =	vand.u32 $0x7FFFFFFF, v48;
	v22 =	vadd.f32 v59, v22;
	v42 =	vmul.f32 v45, v63  }
0x51: {  	v39 =	vmul.f32 v51, v49;
	v43 =	vmul.f32 v43, v44;
	v63 =	vsub.f32 $2.000000000e+00, v62  }
0x52: {  	v12 =	vadd.f32 v58, v12;
	v34 =	vmul.f32 v32, v56;
	v60 =	vmul.f32 v42, v54  }
0x53: {  	v32 =	vand.u32 $0x7FFFFFFF, v46;
	v62 =	vmul.f32 v48, v48;
	v61 =	vmul.f32 v61, v63  }
0x54: {  	v42 =	vsel vm1, $0x3F800000, v0;
	v46 =	vmul.f32 v46, v46;
	v34 =	vnsel vm4, $0x0, v34  }
0x55: {  	vm4 =	vgt.f32 v41, $2.000000030e-01;
	v60 =	vnsel vm5, $0x0, v60;
	v47 =	vmul.f32 v61, v47  }
0x56: {  	v41 =	vmul.f32 v39, v57;
	v15 =	vadd.f32 v62, v15;
	v39 =	vsel vm6, $0x3F800000, v0  }
0x57: {  	v19 =	vadd.f32 v46, v19;
	v23 =	vadd.f32 v34, v23;
	v63 =	vnsel vm6, $0x0, v47  }
0x58: {  	s23 =	simm.s32 $0x200;
	v34 =	vsel vm3, $0x3F800000, v0;
	v20 =	vadd.f32 v60, v20;
	v24 =	vadd.f32 v63, v24  }
.LBB2_3:
0x59: {  	s24 =	sshra.s32 s23, $0x2;
	p0 =	sne.s32 s23, $0xFE00;
	s23 =	sadd.s32 $0x200, s23;
	v37 =	vmul.f32 v37, v37;
	v6 =	vadd.f32 v42, v6;
	v30 =	vmul.f32 v30, v38  }
0x5a: {  	v28 =	vmul.f32 v31, v28;
	v42 =	vsel vm4, $0x3F800000, v0;
	v38 =	vld [tilespmem:s24+$0x30];
	v33 =	vmul.f32 v43, v33  }
0x5b: {  	v29 =	vmul.f32 v29, v40;
	v43 =	vld [tilespmem:s24+$0x10];
	v8 =	vadd.f32 v37, v8;
	v27 =	vmul.f32 v30, v27  }
0x5c: {  	v37 =	vsel vm5, $0x3F800000, v0;
	v28 =	vsub.f32 $2.000000000e+00, v28;
	v30 =	vld [tilespmem:s24+$0x60];
	v33 =	vnsel vm2, $0x0, v33  }
0x5d: {  	v29 =	vmul.f32 v29, v36;
	v16 =	vadd.f32 v37, v16;
	v37 =	vnsel vm4, $0x0, v41;
	v40 =	vld [tilespmem:s24+$0x20]  }
0x5e: {  	v28 =	vmul.f32 v31, v28;
	v27 =	vnsel vm0, $0x0, v27;
	v2 =	vadd.f32 v33, v2;
	v36 =	vld [tilespmem:s24+$0x70]  }
0x5f: {  	v26 =	vmul.f32 v26, v26;
	v9 =	vadd.f32 v37, v9;
	v4 =	vadd.f32 v27, v4;
	v31 =	vld [tilespmem:s24+$0x8060]  }
0x60: {  	v14 =	vadd.f32 v35, v14;
	v10 =	vadd.f32 v34, v10;
	v27 =	vmul.f32 v28, v32;
	v33 =	vld [tilespmem:s24+$0x50]  }
0x61: {  	v5 =	vadd.f32 v42, v5;
	v17 =	vadd.f32 v26, v17;
	v26 =	vnsel vm1, $0x0, v29;
	v32 =	vld [tilespmem:s24+$0x8070]  }
0x62: {  	v18 =	vadd.f32 v39, v18;
	v1 =	vadd.f32 v25, v1;
	v27 =	vnsel vm3, $0x0, v27;
	v34 =	vld [tilespmem:s24+$0x8050]  }
0x63: {  	v3 =	vadd.f32 v26, v3;
	v11 =	vadd.f32 v27, v11;
	v35 =	vld [tilespmem:s24+$0x8010]  }
0x64: {  	v39 =	vld [tilespmem:s24+$0x8020];
	v41 =	vsub.f32 v31, v30;
	vm0 =	vgt.f32 v31, $2.000000030e-01;
	v30 =	vsub.s32 $0x7EF311C3, v31  }
0x65: {  	v28 =	vld [tilespmem:s24+$0x8030];
	v42 =	vmul.f32 v30, v31;
	v25 =	vsel vm0, $0x3F800000, v0  }
0x66: {  	v44 =	vld [tilespmem:s24+$0x8040];
	v27 =	vand.u32 $0x7FFFFFFF, v41;
	v36 =	vsub.f32 v32, v36;
	v45 =	vsub.s32 $0x7EF311C3, v32  }
0x67: {  	v13 =	vadd.f32 v25, v13;
	v29 =	vsub.s32 $0x7EF311C3, v34;
	v46 =	vmul.f32 v45, v32  }
0x68: {  	vm2 =	vgt.f32 v32, $2.000000030e-01;
	v26 =	vsub.f32 v35, v43;
	v37 =	vsub.s32 $0x7EF311C3, v35  }
0x69: {  	v25 =	vsel vm2, $0x3F800000, v0;
	v32 =	vmul.f32 v37, v35;
	v43 =	vsub.s32 $0x7EF311C3, v39  }
0x6a: {  	v48 =	vsub.f32 v34, v33;
	v47 =	vsub.f32 v28, v38;
	v31 =	vsub.s32 $0x7EF311C3, v28;
	v38 =	vld [tilespmem:s24+$0x40]  }
0x6b: {  	v33 =	vand.u32 $0x7FFFFFFF, v36;
	v49 =	vmul.f32 v43, v39;
	v32 =	vsub.f32 $2.000000000e+00, v32  }
0x6c: {  	v51 =	vmul.f32 v29, v34;
	v40 =	vsub.f32 v39, v40;
	v50 =	vsub.s32 $0x7EF311C3, v44  }
0x6d: {  	vm1 =	vgt.f32 v34, $2.000000030e-01;
	v49 =	vsub.f32 $2.000000000e+00, v49;
	v32 =	vmul.f32 v37, v32  }
0x6e: {  	v36 =	vmul.f32 v36, v36;
	v34 =	vand.u32 $0x7FFFFFFF, v26;
	v52 =	vmul.f32 v50, v44  }
0x6f: {  	vm3 =	vgt.f32 v28, $2.000000030e-01;
	v53 =	vld [tilespmem:s24+$0x8000];
	v34 =	vmul.f32 v32, v34;
	v37 =	vsub.f32 v44, v38  }
0x70: {  	v7 =	vadd.f32 v36, v7;
	v55 =	vand.u32 $0x7FFFFFFF, v40;
	v43 =	vmul.f32 v43, v49;
	v54 =	vld [tilespmem:s24+$0x0]  }
0x71: {  	vm4 =	vgt.f32 v35, $2.000000030e-01;
	v32 =	vand.u32 $0x7FFFFFFF, v47;
	v38 =	vsub.f32 $2.000000000e+00, v42  }
0x72: {  	v42 =	vsel vm4, $0x3F800000, v0;
	v34 =	vnsel vm4, $0x0, v34;
	vm4 =	vgt.f32 v44, $2.000000030e-01  }
0x73: {  	v43 =	vmul.f32 v43, v55;
	v23 =	vadd.f32 v34, v23;
	v34 =	vsel vm3, $0x3F800000, v0  }
0x74: {  	v36 =	vand.u32 $0x7FFFFFFF, v48;
	v49 =	vsub.f32 $2.000000000e+00, v52;
	v44 =	vsub.s32 $0x7EF311C3, v53  }
0x75: {  	v35 =	vmul.f32 v40, v40;
	v52 =	vsub.f32 v53, v54;
	v54 =	vmul.f32 v44, v53  }
0x76: {  	vm5 =	vgt.f32 v39, $2.000000030e-01;
	v21 =	vadd.f32 v42, v21;
	v39 =	vmul.f32 v50, v49  }
0x77: {  	v41 =	vmul.f32 v41, v41;
	v49 =	vand.u32 $0x7FFFFFFF, v37;
	v42 =	vsub.f32 $2.000000000e+00, v54  }
0x78: {  	v40 =	vsub.f32 $2.000000000e+00, v51;
	v43 =	vnsel vm5, $0x0, v43;
	v50 =	vmul.f32 v52, v52  }
0x79: {  	v48 =	vmul.f32 v48, v48;
	v44 =	vmul.f32 v44, v42;
	v42 =	vsel vm1, $0x3F800000, v0  }
.Ltmp2:
0x7a: {  	v12 =	vadd.f32 v41, v12;
	v22 =	vadd.f32 v50, v22;
	v50 =	vand.u32 $0x7FFFFFFF, v52;
	(pc) =	sbr.rel @p0 .LBB2_3-.Ltmp2, $4  }
0x7b: {  	v46 =	vsub.f32 $2.000000000e+00, v46;
	v47 =	vmul.f32 v47, v47;
	v44 =	vmul.f32 v44, v50  }
0x7c: {  	v15 =	vadd.f32 v48, v15;
	v41 =	vmul.f32 v39, v49;
	vm6 =	vgt.f32 v53, $2.000000030e-01  }
0x7d: {  	v19 =	vadd.f32 v47, v19;
	v39 =	vsel vm6, $0x3F800000, v0;
	v44 =	vnsel vm6, $0x0, v44  }
0x7e: {  	v20 =	vadd.f32 v43, v20;
	v43 =	vmul.f32 v45, v46;
	v24 =	vadd.f32 v44, v24  }
0x7f: {  	s23 =	sshll.u32 s22, $0xF  }
0x80: {  	p0 =	seq.s32 s22, $0x4;
	s23 =	sadd.s32 s5, s23  }
0x81: {  	s24 =	sshrl.u32 @!p0 s23, $0x3  }
0x82: {  	s24 =	sadd.s32 @!p0 $0x1000, s24  }
0x83: {  	s26 =	simm.s32 @!p0 $0x0;
	s25 =	sadd.s32 @!p0 s1, s24  }
0x84: {  	[tilespmem:s26], [sflag:$0x1] =	stream.linear.gather @!p0 [hbm4b:s25+s26], $0x4000, $0x38;
	[tilespmem:$0x10080] =	vst v63  }
0x85: {  	s24 =	sadd.s32 @!p0 s3, s24;
	s25 =	simm.s32 @!p0 $0x8000  }
0x86: {  	[tilespmem:s25], [sflag:$0x3] =	stream.linear.gather @!p0 [hbm4b:s24+s26], $0x4000, $0x38;
	[tilespmem:$0x10080] =	vst v63  }
0x87: {  	_ =	swait.ge [sflag:s17], $0x4000  }
0x88: {  	[sflag:s17] =	ssyncset.done $0x0  }
0x89: {  	[sflag:s17] =	ssyncadd.s32 $0xFFFFC000  }
0x8a: {  	_ =	swait.ge [sflag:s18], $0x4000  }
0x8b: {  	[sflag:s18] =	ssyncset.done $0x0  }
0x8c: {  	v30 =	vmul.f32 v30, v38;
	v28 =	vmul.f32 v31, v28;
	s31 =	simm.s32 $0x0;
	[sflag:s18] =	ssyncadd.s32 $0xFFFFC000  }
0x8d: {  	v49 =	vld [tilespmem:s31+$0x4030]  }
0x8e: {  	v27 =	vmul.f32 v30, v27;
	v30 =	vsel vm5, $0x3F800000, v0;
	v28 =	vsub.f32 $2.000000000e+00, v28;
	v50 =	vld [tilespmem:s31+$0x4010]  }
0x8f: {  	v16 =	vadd.f32 v30, v16;
	v30 =	vld [tilespmem:s31+$0x4060]  }
0x90: {  	v28 =	vmul.f32 v31, v28;
	v31 =	vld [tilespmem:s31+$0x4070]  }
0x91: {  	v37 =	vmul.f32 v37, v37;
	v6 =	vadd.f32 v42, v6;
	v48 =	vsel vm4, $0x3F800000, v0;
	v52 =	vld [tilespmem:s31+$0xC060]  }
0x92: {  	v29 =	vmul.f32 v29, v40;
	v51 =	vnsel vm4, $0x0, v41;
	v14 =	vadd.f32 v35, v14;
	v53 =	vld [tilespmem:s31+$0x4050]  }
0x93: {  	v26 =	vmul.f32 v26, v26;
	v10 =	vadd.f32 v34, v10;
	v18 =	vadd.f32 v39, v18;
	v54 =	vld [tilespmem:s31+$0xC070]  }
0x94: {  	v1 =	vadd.f32 v25, v1;
	v33 =	vmul.f32 v43, v33;
	v27 =	vnsel vm0, $0x0, v27;
	v57 =	vld [tilespmem:s31+$0xC050]  }
0x95: {  	v9 =	vadd.f32 v51, v9;
	v4 =	vadd.f32 v27, v4;
	v27 =	vmul.f32 v28, v32;
	v38 =	vld [tilespmem:s31+$0xC010]  }
0x96: {  	v5 =	vadd.f32 v48, v5;
	v8 =	vadd.f32 v37, v8;
	v28 =	vmul.f32 v29, v36;
	v39 =	vld [tilespmem:s31+$0xC020]  }
0x97: {  	v17 =	vadd.f32 v26, v17;
	v33 =	vnsel vm2, $0x0, v33;
	v26 =	vnsel vm3, $0x0, v27;
	v29 =	vld [tilespmem:s31+$0xC030]  }
0x98: {  	v2 =	vadd.f32 v33, v2;
	v27 =	vnsel vm1, $0x0, v28;
	v11 =	vadd.f32 v26, v11;
	v55 =	vld [tilespmem:s31+$0x4020]  }
0x99: {  	v3 =	vadd.f32 v27, v3;
	v45 =	vld [tilespmem:s31+$0xC040];
	v40 =	vsub.f32 v52, v30;
	vm0 =	vgt.f32 v52, $2.000000030e-01  }
0x9a: {  	v61 =	vld [tilespmem:s31+$0x4040];
	v28 =	vsub.s32 $0x7EF311C3, v52;
	v56 =	vsub.f32 v54, v31;
	v44 =	vsub.s32 $0x7EF311C3, v54  }
0x9b: {  	v30 =	vsub.s32 $0x7EF311C3, v57;
	v26 =	vsub.f32 v38, v50;
	v58 =	vsub.s32 $0x7EF311C3, v38  }
0x9c: {  	vm2 =	vgt.f32 v54, $2.000000030e-01;
	v60 =	vsub.s32 $0x7EF311C3, v39;
	v47 =	vsub.f32 v29, v49  }
0x9d: {  	v31 =	vsub.s32 $0x7EF311C3, v29;
	v48 =	vsub.f32 v57, v53;
	v50 =	vsub.f32 v39, v55  }
0x9e: {  	v51 =	vsub.s32 $0x7EF311C3, v45;
	vm1 =	vgt.f32 v57, $2.000000030e-01;
	vm3 =	vgt.f32 v29, $2.000000030e-01  }
0x9f: {  	v36 =	vsub.f32 v45, v61;
	vm4 =	vgt.f32 v38, $2.000000030e-01;
	v41 =	vmul.f32 v28, v52  }
0xa0: {  	vm5 =	vgt.f32 v39, $2.000000030e-01;
	v46 =	vmul.f32 v44, v54;
	v59 =	vmul.f32 v58, v38  }
0xa1: {  	v25 =	vsel vm0, $0x3F800000, v0;
	v49 =	vmul.f32 v60, v39;
	v52 =	vmul.f32 v30, v57  }
0xa2: {  	v53 =	vld [tilespmem:s31+$0xC000];
	v27 =	vand.u32 $0x7FFFFFFF, v40;
	v13 =	vadd.f32 v25, v13;
	v25 =	vsel vm2, $0x3F800000, v0  }
0xa3: {  	v54 =	vld [tilespmem:s31+$0x4000];
	v33 =	vand.u32 $0x7FFFFFFF, v56;
	v57 =	vand.u32 $0x7FFFFFFF, v26;
	v43 =	vmul.f32 v56, v56  }
0xa4: {  	v37 =	vand.u32 $0x7FFFFFFF, v48;
	v62 =	vsub.f32 $2.000000000e+00, v59;
	v63 =	vsub.f32 $2.000000000e+00, v49  }
0xa5: {  	v59 =	vand.u32 $0x7FFFFFFF, v50;
	v38 =	vsub.f32 $2.000000000e+00, v41;
	v46 =	vsub.f32 $2.000000000e+00, v46  }
0xa6: {  	v7 =	vadd.f32 v43, v7;
	v32 =	vmul.f32 v58, v62;
	v58 =	vmul.f32 v51, v45  }
0xa7: {  	v34 =	vmul.f32 v60, v63;
	v60 =	vsel vm4, $0x3F800000, v0;
	v43 =	vsub.s32 $0x7EF311C3, v53  }
0xa8: {  	vm6 =	vgt.f32 v53, $2.000000030e-01;
	v49 =	vsub.f32 v53, v54;
	v62 =	vmul.f32 v43, v53  }
0xa9: {  	v21 =	vadd.f32 v60, v21;
	v35 =	vmul.f32 v32, v57;
	v32 =	vand.u32 $0x7FFFFFFF, v47  }
0xaa: {  	v42 =	vmul.f32 v34, v59;
	v34 =	vsel vm3, $0x3F800000, v0;
	v61 =	vsub.f32 $2.000000000e+00, v58  }
0xab: {  	v57 =	vand.u32 $0x7FFFFFFF, v36;
	v58 =	vmul.f32 v40, v40;
	v40 =	vsub.f32 $2.000000000e+00, v52  }
0xac: {  	v47 =	vmul.f32 v47, v47;
	v63 =	vsub.f32 $2.000000000e+00, v62;
	v59 =	vmul.f32 v49, v49  }
0xad: {  	v62 =	vand.u32 $0x7FFFFFFF, v49;
	v35 =	vnsel vm4, $0x0, v35;
	vm4 =	vgt.f32 v45, $2.000000030e-01  }
0xae: {  	v39 =	vmul.f32 v51, v61;
	v60 =	vnsel vm5, $0x0, v42;
	v41 =	vmul.f32 v43, v63  }
0xaf: {  	v61 =	vmul.f32 v48, v48;
	v42 =	vsel vm1, $0x3F800000, v0;
	v12 =	vadd.f32 v58, v12  }
0xb0: {  	v19 =	vadd.f32 v47, v19;
	v23 =	vadd.f32 v35, v23;
	v48 =	vmul.f32 v41, v62  }
0xb1: {  	v35 =	vmul.f32 v50, v50;
	v22 =	vadd.f32 v59, v22;
	v20 =	vadd.f32 v60, v20  }
0xb2: {  	v43 =	vmul.f32 v44, v46;
	v15 =	vadd.f32 v61, v15;
	v63 =	vnsel vm6, $0x0, v48  }
0xb3: {  	s24 =	simm.s32 $0x200;
	v41 =	vmul.f32 v39, v57;
	v39 =	vsel vm6, $0x3F800000, v0;
	v24 =	vadd.f32 v63, v24  }
.LBB2_5:
0xb4: {  	s25 =	sshra.s32 s24, $0x2;
	p1 =	sne.s32 s24, $0xFE00;
	s24 =	sadd.s32 $0x200, s24;
	v36 =	vmul.f32 v36, v36;
	v6 =	vadd.f32 v42, v6;
	v28 =	vmul.f32 v28, v38  }
0xb5: {  	v29 =	vmul.f32 v31, v29;
	v42 =	vsel vm4, $0x3F800000, v0;
	v38 =	vld [tilespmem:s25+$0x4030];
	v33 =	vmul.f32 v43, v33  }
0xb6: {  	v30 =	vmul.f32 v30, v40;
	v43 =	vld [tilespmem:s25+$0x4010];
	v8 =	vadd.f32 v36, v8;
	v27 =	vmul.f32 v28, v27  }
0xb7: {  	v36 =	vsel vm5, $0x3F800000, v0;
	v29 =	vsub.f32 $2.000000000e+00, v29;
	v28 =	vld [tilespmem:s25+$0x4060];
	v33 =	vnsel vm2, $0x0, v33  }
0xb8: {  	v30 =	vmul.f32 v30, v37;
	v16 =	vadd.f32 v36, v16;
	v36 =	vnsel vm4, $0x0, v41;
	v40 =	vld [tilespmem:s25+$0x4020]  }
0xb9: {  	v29 =	vmul.f32 v31, v29;
	v27 =	vnsel vm0, $0x0, v27;
	v2 =	vadd.f32 v33, v2;
	v37 =	vld [tilespmem:s25+$0x4070]  }
0xba: {  	v26 =	vmul.f32 v26, v26;
	v9 =	vadd.f32 v36, v9;
	v4 =	vadd.f32 v27, v4;
	v31 =	vld [tilespmem:s25+$0xC060]  }
0xbb: {  	v14 =	vadd.f32 v35, v14;
	v10 =	vadd.f32 v34, v10;
	v27 =	vmul.f32 v29, v32;
	v33 =	vld [tilespmem:s25+$0x4050]  }
0xbc: {  	v5 =	vadd.f32 v42, v5;
	v17 =	vadd.f32 v26, v17;
	v26 =	vnsel vm1, $0x0, v30;
	v32 =	vld [tilespmem:s25+$0xC070]  }
0xbd: {  	v18 =	vadd.f32 v39, v18;
	v1 =	vadd.f32 v25, v1;
	v27 =	vnsel vm3, $0x0, v27;
	v34 =	vld [tilespmem:s25+$0xC050]  }
0xbe: {  	v3 =	vadd.f32 v26, v3;
	v11 =	vadd.f32 v27, v11;
	v35 =	vld [tilespmem:s25+$0xC010]  }
0xbf: {  	v39 =	vld [tilespmem:s25+$0xC020];
	v41 =	vsub.f32 v31, v28;
	vm0 =	vgt.f32 v31, $2.000000030e-01;
	v28 =	vsub.s32 $0x7EF311C3, v31  }
0xc0: {  	v29 =	vld [tilespmem:s25+$0xC030];
	v42 =	vmul.f32 v28, v31;
	v25 =	vsel vm0, $0x3F800000, v0  }
0xc1: {  	v44 =	vld [tilespmem:s25+$0xC040];
	v27 =	vand.u32 $0x7FFFFFFF, v41;
	v36 =	vsub.f32 v32, v37;
	v45 =	vsub.s32 $0x7EF311C3, v32  }
0xc2: {  	v13 =	vadd.f32 v25, v13;
	v30 =	vsub.s32 $0x7EF311C3, v34;
	v46 =	vmul.f32 v45, v32  }
0xc3: {  	vm2 =	vgt.f32 v32, $2.000000030e-01;
	v26 =	vsub.f32 v35, v43;
	v37 =	vsub.s32 $0x7EF311C3, v35  }
0xc4: {  	v25 =	vsel vm2, $0x3F800000, v0;
	v32 =	vmul.f32 v37, v35;
	v43 =	vsub.s32 $0x7EF311C3, v39  }
0xc5: {  	v48 =	vsub.f32 v34, v33;
	v47 =	vsub.f32 v29, v38;
	v31 =	vsub.s32 $0x7EF311C3, v29;
	v38 =	vld [tilespmem:s25+$0x4040]  }
0xc6: {  	v33 =	vand.u32 $0x7FFFFFFF, v36;
	v49 =	vmul.f32 v43, v39;
	v32 =	vsub.f32 $2.000000000e+00, v32  }
0xc7: {  	v51 =	vmul.f32 v30, v34;
	v40 =	vsub.f32 v39, v40;
	v50 =	vsub.s32 $0x7EF311C3, v44  }
0xc8: {  	vm1 =	vgt.f32 v34, $2.000000030e-01;
	v32 =	vmul.f32 v37, v32;
	v37 =	vsub.f32 $2.000000000e+00, v49  }
0xc9: {  	v52 =	vmul.f32 v36, v36;
	v34 =	vand.u32 $0x7FFFFFFF, v26;
	v49 =	vmul.f32 v50, v44  }
0xca: {  	vm3 =	vgt.f32 v29, $2.000000030e-01;
	v53 =	vld [tilespmem:s25+$0xC000];
	v34 =	vmul.f32 v32, v34;
	v36 =	vsub.f32 v44, v38  }
0xcb: {  	v7 =	vadd.f32 v52, v7;
	v55 =	vand.u32 $0x7FFFFFFF, v40;
	v37 =	vmul.f32 v43, v37;
	v54 =	vld [tilespmem:s25+$0x4000]  }
0xcc: {  	vm4 =	vgt.f32 v35, $2.000000030e-01;
	v32 =	vand.u32 $0x7FFFFFFF, v47;
	v38 =	vsub.f32 $2.000000000e+00, v42  }
0xcd: {  	v42 =	vsel vm4, $0x3F800000, v0;
	v34 =	vnsel vm4, $0x0, v34;
	vm4 =	vgt.f32 v44, $2.000000030e-01  }
0xce: {  	v43 =	vmul.f32 v37, v55;
	v23 =	vadd.f32 v34, v23;
	v34 =	vsel vm3, $0x3F800000, v0  }
0xcf: {  	v49 =	vsub.f32 $2.000000000e+00, v49;
	v37 =	vand.u32 $0x7FFFFFFF, v48;
	v44 =	vsub.s32 $0x7EF311C3, v53  }
0xd0: {  	v35 =	vmul.f32 v40, v40;
	v52 =	vsub.f32 v53, v54;
	v54 =	vmul.f32 v44, v53  }
0xd1: {  	vm5 =	vgt.f32 v39, $2.000000030e-01;
	v21 =	vadd.f32 v42, v21;
	v39 =	vmul.f32 v50, v49  }
0xd2: {  	v41 =	vmul.f32 v41, v41;
	v49 =	vand.u32 $0x7FFFFFFF, v36;
	v42 =	vsub.f32 $2.000000000e+00, v54  }
0xd3: {  	v40 =	vsub.f32 $2.000000000e+00, v51;
	v43 =	vnsel vm5, $0x0, v43;
	v50 =	vmul.f32 v52, v52  }
0xd4: {  	v48 =	vmul.f32 v48, v48;
	v44 =	vmul.f32 v44, v42;
	v42 =	vsel vm1, $0x3F800000, v0  }
.Ltmp3:
0xd5: {  	v12 =	vadd.f32 v41, v12;
	v22 =	vadd.f32 v50, v22;
	v50 =	vand.u32 $0x7FFFFFFF, v52;
	(pc) =	sbr.rel @p1 .LBB2_5-.Ltmp3, $4  }
0xd6: {  	v46 =	vsub.f32 $2.000000000e+00, v46;
	v47 =	vmul.f32 v47, v47;
	v44 =	vmul.f32 v44, v50  }
0xd7: {  	v41 =	vmul.f32 v39, v49;
	v15 =	vadd.f32 v48, v15;
	vm6 =	vgt.f32 v53, $2.000000030e-01  }
0xd8: {  	v19 =	vadd.f32 v47, v19;
	v39 =	vsel vm6, $0x3F800000, v0;
	v44 =	vnsel vm6, $0x0, v44  }
0xd9: {  	v20 =	vadd.f32 v43, v20;
	v43 =	vmul.f32 v45, v46;
	v24 =	vadd.f32 v44, v24  }
0xda: {  	v36 =	vmul.f32 v36, v36;
	v6 =	vadd.f32 v42, v6;
	v28 =	vmul.f32 v28, v38  }
0xdb: {  	v29 =	vmul.f32 v31, v29;
	v61 =	vsel vm4, $0x3F800000, v0;
	v30 =	vmul.f32 v30, v40  }
0xdc: {  	v62 =	vsel vm5, $0x3F800000, v0;
	v63 =	vnsel vm4, $0x0, v41;
	v14 =	vadd.f32 v35, v14  }
0xdd: {  	v26 =	vmul.f32 v26, v26;
	v10 =	vadd.f32 v34, v10;
	v29 =	vsub.f32 $2.000000000e+00, v29  }
0xde: {  	v18 =	vadd.f32 v39, v18;
	v1 =	vadd.f32 v25, v1;
	v27 =	vmul.f32 v28, v27  }
0xdf: {  	v33 =	vmul.f32 v43, v33;
	v16 =	vadd.f32 v62, v16;
	v29 =	vmul.f32 v31, v29  }
.Ltmp4:
0xe0: {  	v9 =	vadd.f32 v63, v9;
	v5 =	vadd.f32 v61, v5;
	v27 =	vnsel vm0, $0x0, v27;
	(pc) =	sbr.rel @p0 .LBB2_8-.Ltmp4, $4  }
0xe1: {  	v30 =	vmul.f32 v30, v37;
	v4 =	vadd.f32 v27, v4;
	v27 =	vmul.f32 v29, v32  }
0xe2: {  	v8 =	vadd.f32 v36, v8;
	v17 =	vadd.f32 v26, v17;
	v33 =	vnsel vm2, $0x0, v33  }
0xe3: {  	v2 =	vadd.f32 v33, v2;
	v26 =	vnsel vm1, $0x0, v30;
	v27 =	vnsel vm3, $0x0, v27  }
0xe4: {  	v3 =	vadd.f32 v26, v3;
	v11 =	vadd.f32 v27, v11  }
0xe5: {  	s23 =	sshrl.u32 s23, $0x3  }
.Ltmp5:
0xe6: {  	s23 =	sadd.s32 $0x1800, s23;
	(pc) =	sbr.rel .LBB2_2-.Ltmp5, $4  }
0xe7: {  	s24 =	sadd.s32 s1, s23  }
0xe8: {  	[tilespmem:s13], [sflag:$0x2] =	stream.linear.gather [hbm4b:s24+s4], $0x4000, $0x38;
	[tilespmem:$0x10080] =	vst v63  }
0xe9: {  	s22 =	sadd.s32 $0x1, s22;
	s23 =	sadd.s32 s3, s23  }
0xea: {  	[tilespmem:s14], [sflag:$0x4] =	stream.linear.gather [hbm4b:s23+s4], $0x4000, $0x38;
	[tilespmem:$0x10080] =	vst v63  }
.LBB2_9:
0xeb: {  	_ =	sfence.sel $0x180000  }
0xec: {  	[bflag:$0x0] =	sbarrier.arrive $0xFFFF  }
0xed: {  	p0 =	sne.s32 s0, $0x0;
	_ =	strace $0x90000047  }
0xee: {  	s0 =	sadd.s32 @!p0 $0x100000, s2;
	[bflag:$0x2] =	sbarrier.arrive $0xFFFF  }
0xef: {  	[sflag:s0] =	ssyncadd.tile.s32 @!p0 $0x1;
	_ =	shalt  }
.Lfunc_end2:
_tile_overlayer_lowered:
.L_overlay_start_2:
0xf0: {  	(tag) =	ssettag $0x2  }
0xf1: {  	s0 =	rddreg [dreg:$0x0];
	s2 =	stileid.u32  }
0xf2: {  	s1 =	rddreg [dreg:$0x1];
	p0 =	sne.s32 s2, $0x0  }
0xf3: {  	s3 =	rddreg [dreg:$0x2];
	[bflag:$0x3] =	sbarrier.arrive $0xFFFF;
	s2 =	simm.s32 @!p0 $0x1C05  }
0xf4: {  	[timem:s3], [sflag:s2] =	dma.local @!p0 [hbm:s0], s1  }
0xf5: {  	s0 =	simm.s32 @!p0 $0x5  }
0xf6: {  	_ =	swait.ge @!p0 [sflag:s0], s1  }
0xf7: {  	s1 =	ssub.s32 @!p0 $0x0, s1;
	[sflag:s0] =	ssyncset.done @!p0 $0x0  }
0xf8: {  	[sflag:s0] =	ssyncadd.s32 @!p0 s1  }
0xf9: {  	[bflag:$0x3] =	sbarrier.arrive $0xFFFF  }
0xfa: {  	_ =	shalt  }

</sc_bundles>
